<compile_context>
chip_gen: v7x
topology: tpu7x:2x2x1
jax: 0.10.2.dev20260603
libtpu: 0.0.44.dev20260713+nightly
codegen_flags: <defaults>
</compile_context>

<pallas_src>
import functools

import jax
import jax.numpy as jnp
from jax import lax
from jax.experimental import pallas as pl
from jax.experimental.pallas import tpu as pltpu
from jax.experimental.pallas import tpu_sc as plsc

VOCAB = 1000
B, S = 1024, 50
N = B * S
NC, NS = 2, 16
NW = NC * NS
R = N // NW
L = 16
V = R // L
CH = 80
NCH = R // CH


def _body(txt_hbm, tgt_hbm, vis_hbm, out_hbm, tgtbuf, idx_v, gath_v, vis_v,
          part_v, gsem, vsem):
    wid = lax.axis_index("s") * NC + lax.axis_index("c")
    base = wid * R

    vis_cp = pltpu.make_async_copy(vis_hbm.at[pl.ds(base, R)], vis_v, vsem)
    vis_cp.start()
    pltpu.sync_copy(tgt_hbm.at[pl.ds(base, R)], tgtbuf.at[pl.ds(8, R)])

    @pl.loop(0, V)
    def _compute_idx(j):
        cur = tgtbuf[pl.ds(8 + j * L, L)]
        tc = jnp.where(cur > VOCAB, 0, cur)
        rows = (base + j * L) + lax.iota(jnp.int32, L)
        idx_v[pl.ds(j * L, L)] = rows * (VOCAB + 1) + tc

    gather_cps = []
    for c in range(NCH):
        cp = pltpu.make_async_copy(
            txt_hbm.at[idx_v.at[pl.ds(c * CH, CH)]],
            gath_v.at[pl.ds(c * CH, CH)], gsem)
        cp.start()
        gather_cps.append(cp)
    for cp in gather_cps:
        cp.wait()
    vis_cp.wait()

    zero = jnp.zeros((L,), jnp.float32)

    def acc_step(j, carry):
        a_txt, a_vis, a_cnt = carry
        cur = tgtbuf[pl.ds(8 + j * L, L)]
        prev = tgtbuf[pl.ds(7 + j * L, L)]
        pos = j * L + lax.iota(jnp.int32, L)
        vis_f = jnp.where(cur > VOCAB, 1.0, 0.0)
        first_f = jnp.where(pos % S == 0, 1.0, 0.0)
        prev_f = jnp.where(prev > 0, 1.0, 0.0)
        txt_f = (1.0 - vis_f) * jnp.minimum(first_f + prev_f, 1.0)
        g = gath_v[pl.ds(j * L, L)]
        vv = vis_v[pl.ds(j * L, L)]
        a_txt = a_txt + g * txt_f
        a_vis = a_vis + vv * vis_f
        a_cnt = a_cnt + txt_f + vis_f
        return a_txt, a_vis, a_cnt

    a_txt, a_vis, a_cnt = lax.fori_loop(0, V, acc_step, (zero, zero, zero))

    part_v[pl.ds(0, L)] = a_txt
    part_v[pl.ds(L, L)] = a_vis
    part_v[pl.ds(2 * L, L)] = a_cnt
    pltpu.sync_copy(part_v, out_hbm.at[pl.ds(wid * 3 * L, 3 * L)])


@jax.jit
def kernel(txt_input, vis_input, target):
    txt_flat = txt_input.reshape(-1)
    vis_flat = vis_input.reshape(-1)
    tgt_flat = target.reshape(-1)

    mesh = plsc.VectorSubcoreMesh(
        core_axis_name="c", subcore_axis_name="s",
        num_cores=NC, num_subcores=NS)
    run = pl.kernel(
        _body,
        out_type=jax.ShapeDtypeStruct((NW * 3 * L,), jnp.float32),
        mesh=mesh,
        scratch_types=[
            pltpu.VMEM((R + 8,), jnp.int32),
            pltpu.VMEM((R,), jnp.int32),
            pltpu.VMEM((R,), jnp.float32),
            pltpu.VMEM((R,), jnp.float32),
            pltpu.VMEM((3 * L,), jnp.float32),
            pltpu.SemaphoreType.DMA,
            pltpu.SemaphoreType.DMA,
        ],
    )
    parts = run(txt_flat, tgt_flat, vis_flat).reshape(NW, 3, L)
    sums = jnp.sum(parts, axis=(0, 2))
    return -(sums[0] + sums[1]) / sums[2]

# --- scband reference (transcript-rebuilt; emitter-appended) ---
"""Pipeline reference for scband-lmcriterion-18889266167960 (READ-ONLY COPY).

The authoritative reference and input builder live on the scoring server;
editing this copy changes nothing except your own understanding.
"""

import jax, jax.numpy as jnp
import numpy as np

VOCAB_SIZE = 1000
B, S = 1024, 50
N = B * S


def setup_inputs(seed: int = 0) -> dict:
    key = jax.random.key(seed)
    k1, k2, k3 = jax.random.split(key, 3)
    txt_input = jax.random.normal(k1, (N, VOCAB_SIZE + 1), dtype=jnp.float32)
    vis_input = jax.random.normal(k2, (N, 1), dtype=jnp.float32)
    # target values in [0, 1500): values > VOCAB_SIZE are 'visual' tokens, 0 is padding
    target = jax.random.randint(k3, (B, S), 0, 1500, dtype=jnp.int32)
    return {"txt_input": txt_input, "vis_input": vis_input, "target": target}


def reference(txt_input, vis_input, target):
    # vis_mask: positions whose target id exceeds the text vocab -> visual words
    vis_mask = (target > VOCAB_SIZE).reshape(-1, 1)
    # txt_mask: shifted-by-one non-padding mask (first column always 1)
    txt_mask = target > 0
    txt_mask = jnp.concatenate(
        [jnp.ones((txt_mask.shape[0], 1), dtype=bool), txt_mask[:, :-1]], axis=1
    )
    # zero out txt_mask where the token is a visual word
    txt_mask = jnp.where(target > VOCAB_SIZE, False, txt_mask)
    # -masked_select(vis_input, vis_mask) summed == sum of masked negatives
    vis_out_sum = -jnp.sum(jnp.where(vis_mask, vis_input, 0.0))
    # clamp visual-word ids to 0 before the gather (in-place write in torch)
    target_c = jnp.where(target > VOCAB_SIZE, 0, target).reshape(-1, 1)
    txt_select = jnp.take_along_axis(txt_input, target_c, axis=1)
    txt_out_sum = -jnp.sum(jnp.where(txt_mask.reshape(-1, 1), txt_select, 0.0))
    denom = (jnp.sum(txt_mask) + jnp.sum(vis_mask)).astype(jnp.float32)
    loss = (txt_out_sum + vis_out_sum) / denom
    return loss

if __name__ == "__main__":
    import jax
    _d = setup_inputs()
    print(jax.jit(kernel)(*tuple(_d.values())))

</pallas_src>

<mosaic_0001>
#map = affine_map<(d0, d1) -> (0)>
module attributes {stable_mosaic.version = 14 : i64} {
  func.func @_body(%arg0: i32, %arg1: i32, %arg2: memref<51251200xf32, #tpu.memory_space<hbm>>, %arg3: memref<51200xi32, #tpu.memory_space<hbm>>, %arg4: memref<51200xf32, #tpu.memory_space<hbm>>, %arg5: memref<1536xf32, #tpu.memory_space<hbm>>, %arg6: memref<1608xi32, #tpu.memory_space<vmem>>, %arg7: memref<1600xi32, #tpu.memory_space<vmem>>, %arg8: memref<1600xf32, #tpu.memory_space<vmem>>, %arg9: memref<1600xf32, #tpu.memory_space<vmem>>, %arg10: memref<48xf32, #tpu.memory_space<vmem>>, %arg11: memref<!tpu.dma_semaphore, #tpu.memory_space<semaphore_mem>>, %arg12: memref<!tpu.dma_semaphore, #tpu.memory_space<semaphore_mem>>) attributes {dimension_semantics = [#tpu.dimension_semantics<core_parallel>, #tpu.dimension_semantics<subcore_parallel>], iteration_bounds = array<i64: 2, 16>, scalar_prefetch = 0 : i64, scratch_operands = 7 : i64, tpu.core_type = #tpu.core_type<sc_vector_subcore>, window_params = [{transform_indices = #map}, {transform_indices = #map}, {transform_indices = #map}, {transform_indices = #map}]} {
    %mul3A = arith.constant 2 : i32
    %mul3A_0 = arith.muli %arg1, %mul3A : i32
    %add3A = arith.addi %mul3A_0, %arg0 : i32
    %mul3A_1 = arith.constant 1600 : i32
    %mul3A_2 = arith.muli %add3A, %mul3A_1 : i32
    %dma_start3A = tpu.memref_slice %arg4[%mul3A_2] : memref<51200xf32, #tpu.memory_space<hbm>> -> memref<1600xf32, #tpu.memory_space<hbm>>
    %dma_start3A_3 = tpu.memref_slice %arg4[%mul3A_2] : memref<51200xf32, #tpu.memory_space<hbm>> -> memref<1600xf32, #tpu.memory_space<hbm>>
    tpu.enqueue_dma source(%dma_start3A_3 : memref<1600xf32, #tpu.memory_space<hbm>>) target(%arg9 : memref<1600xf32, #tpu.memory_space<vmem>>) target_semaphore(%arg12 : memref<!tpu.dma_semaphore, #tpu.memory_space<semaphore_mem>>)
    "tpu.region"() ({
      %run_scoped3A = tpu.sem_alloc : memref<!tpu.dma_semaphore, #tpu.memory_space<semaphore_mem>>
      %dma_start3A_271 = arith.constant 8 : i32
      %dma_start3A_272 = tpu.memref_slice %arg6[%dma_start3A_271] : memref<1608xi32, #tpu.memory_space<vmem>> -> memref<1600xi32, #tpu.memory_space<vmem>>
      %dma_start3A_273 = tpu.memref_slice %arg3[%mul3A_2] : memref<51200xi32, #tpu.memory_space<hbm>> -> memref<1600xi32, #tpu.memory_space<hbm>>
      %dma_start3A_274 = arith.constant 8 : i32
      %dma_start3A_275 = tpu.memref_slice %arg6[%dma_start3A_274] : memref<1608xi32, #tpu.memory_space<vmem>> -> memref<1600xi32, #tpu.memory_space<vmem>>
      %dma_start3A_276 = tpu.memref_slice %arg3[%mul3A_2] : memref<51200xi32, #tpu.memory_space<hbm>> -> memref<1600xi32, #tpu.memory_space<hbm>>
      tpu.enqueue_dma source(%dma_start3A_276 : memref<1600xi32, #tpu.memory_space<hbm>>) target(%dma_start3A_275 : memref<1600xi32, #tpu.memory_space<vmem>>) target_semaphore(%run_scoped3A : memref<!tpu.dma_semaphore, #tpu.memory_space<semaphore_mem>>)
      %dma_wait3A_277 = arith.constant 8 : i32
      %dma_wait3A_278 = tpu.memref_slice %arg6[%dma_wait3A_277] : memref<1608xi32, #tpu.memory_space<vmem>> -> memref<1600xi32, #tpu.memory_space<vmem>>
      %dma_wait3A_279 = tpu.memref_slice %arg3[%mul3A_2] : memref<51200xi32, #tpu.memory_space<hbm>> -> memref<1600xi32, #tpu.memory_space<hbm>>
      %dma_wait3A_280 = arith.constant 8 : i32
      %dma_wait3A_281 = tpu.memref_slice %arg6[%dma_wait3A_280] : memref<1608xi32, #tpu.memory_space<vmem>> -> memref<1600xi32, #tpu.memory_space<vmem>>
      %dma_wait3A_282 = tpu.memref_slice %arg3[%mul3A_2] : memref<51200xi32, #tpu.memory_space<hbm>> -> memref<1600xi32, #tpu.memory_space<hbm>>
      tpu.wait_dma2 semaphore(%run_scoped3A : memref<!tpu.dma_semaphore, #tpu.memory_space<semaphore_mem>>) src(%dma_wait3A_282 : memref<1600xi32, #tpu.memory_space<hbm>>) dst(%dma_wait3A_281 : memref<1600xi32, #tpu.memory_space<vmem>>)
      tpu.yield
    }) : () -> ()
    %scan3A = arith.constant 0 : i32
    %scan3A_4 = arith.constant 100 : i32
    %scan3A_5 = arith.addi %scan3A, %scan3A_4 : i32
    %scan3A_6 = arith.constant 1 : i32
    scf.for %scan3A_271 = %scan3A to %scan3A_5 step %scan3A_6  : i32 {
      %mul3A_272 = arith.constant 1 : i32
      %mul3A_273 = arith.muli %scan3A_271, %mul3A_272 : i32
      %add3A_274 = arith.constant 0 : i32
      %add3A_275 = arith.addi %add3A_274, %mul3A_273 : i32
      %mul3A_276 = arith.constant 16 : i32
      %mul3A_277 = arith.muli %add3A_275, %mul3A_276 : i32
      %add3A_278 = arith.constant 8 : i32
      %add3A_279 = arith.addi %add3A_278, %mul3A_277 : i32
      %get3A = arith.index_cast %add3A_279 : i32 to index
      %get3A_280 = tpu.vector_load %arg6[%get3A] {strides = array<i32>} : memref<1608xi32, #tpu.memory_space<vmem>>, vector<16xi32>,
      %get3A_281 = vector.shape_cast %get3A_280 : vector<16xi32> to vector<16xi32>
      %gt3A = arith.constant 1000 : i32
      %gt3A_282 = vector.broadcast %gt3A : i32 to vector<16xi32>
      %gt3A_283 = arith.cmpi sgt, %get3A_281, %gt3A_282 : vector<16xi32>
      %jit3A = arith.constant 0 : i32
      %broadcast_in_dim3A_284 = vector.broadcast %jit3A : i32 to vector<16xi32>
      %select_n3A = arith.select %gt3A_283, %broadcast_in_dim3A_284, %get3A_281 : vector<16xi1>, vector<16xi32>
      %mul3A_285 = arith.constant 16 : i32
      %mul3A_286 = arith.muli %add3A_275, %mul3A_285 : i32
      %add3A_287 = arith.addi %mul3A_2, %mul3A_286 : i32
      %iota3A = tpu.iota {dimensions = array<i32: 0>} : vector<16xi32>
      %add3A_288 = vector.broadcast %add3A_287 : i32 to vector<16xi32>
      %add3A_289 = arith.addi %add3A_288, %iota3A : vector<16xi32>
      %mul3A_290 = arith.constant 1001 : i32
      %mul3A_291 = vector.broadcast %mul3A_290 : i32 to vector<16xi32>
      %mul3A_292 = arith.muli %add3A_289, %mul3A_291 : vector<16xi32>
      %add3A_293 = arith.addi %mul3A_292, %select_n3A : vector<16xi32>
      %mul3A_294 = arith.constant 16 : i32
      %mul3A_295 = arith.muli %add3A_275, %mul3A_294 : i32
      %swap3A_296 = arith.index_cast %mul3A_295 : i32 to index
      %swap3A_297 = tpu.vector_load %arg7[%swap3A_296] {strides = array<i32>} : memref<1600xi32, #tpu.memory_space<vmem>>, vector<16xi32>,
      %swap3A_298 = vector.shape_cast %swap3A_297 : vector<16xi32> to vector<16xi32>
      %swap3A_299 = vector.shape_cast %add3A_293 : vector<16xi32> to vector<16xi32>
      tpu.vector_store %arg7[%swap3A_296], %swap3A_299 {strides = array<i32>} : memref<1600xi32, #tpu.memory_space<vmem>>, vector<16xi32>,
    }
    %scan3A_7 = arith.constant 100 : i32
    %dma_start3A_8 = arith.constant 0 : i32
    %dma_start3A_9 = tpu.memref_slice %arg8[%dma_start3A_8] : memref<1600xf32, #tpu.memory_space<vmem>> -> memref<80xf32, #tpu.memory_space<vmem>>
    %dma_start3A_10 = arith.constant 0 : i32
    %dma_start3A_11 = tpu.memref_slice %arg7[%dma_start3A_10] : memref<1600xi32, #tpu.memory_space<vmem>> -> memref<80xi32, #tpu.memory_space<vmem>>
    %dma_start3A_12 = arith.constant 0 : i32
    %dma_start3A_13 = tpu.memref_slice %arg2[%dma_start3A_12] : memref<51251200xf32, #tpu.memory_space<hbm>> -> memref<51251200xf32, #tpu.memory_space<hbm>>
    tpu.enqueue_indirect_dma source(%dma_start3A_13 : memref<51251200xf32, #tpu.memory_space<hbm>>) target(%dma_start3A_9 : memref<80xf32, #tpu.memory_space<vmem>>) offsets(%dma_start3A_11 : memref<80xi32, #tpu.memory_space<vmem>>) semaphore(%arg11 : memref<!tpu.dma_semaphore, #tpu.memory_space<semaphore_mem>>)
    %dma_start3A_14 = arith.constant 80 : i32
    %dma_start3A_15 = tpu.memref_slice %arg8[%dma_start3A_14] : memref<1600xf32, #tpu.memory_space<vmem>> -> memref<80xf32, #tpu.memory_space<vmem>>
    %dma_start3A_16 = arith.constant 80 : i32
    %dma_start3A_17 = tpu.memref_slice %arg7[%dma_start3A_16] : memref<1600xi32, #tpu.memory_space<vmem>> -> memref<80xi32, #tpu.memory_space<vmem>>
    %dma_start3A_18 = arith.constant 0 : i32
    %dma_start3A_19 = tpu.memref_slice %arg2[%dma_start3A_18] : memref<51251200xf32, #tpu.memory_space<hbm>> -> memref<51251200xf32, #tpu.memory_space<hbm>>
    tpu.enqueue_indirect_dma source(%dma_start3A_19 : memref<51251200xf32, #tpu.memory_space<hbm>>) target(%dma_start3A_15 : memref<80xf32, #tpu.memory_space<vmem>>) offsets(%dma_start3A_17 : memref<80xi32, #tpu.memory_space<vmem>>) semaphore(%arg11 : memref<!tpu.dma_semaphore, #tpu.memory_space<semaphore_mem>>)
    %dma_start3A_20 = arith.constant 160 : i32
    %dma_start3A_21 = tpu.memref_slice %arg8[%dma_start3A_20] : memref<1600xf32, #tpu.memory_space<vmem>> -> memref<80xf32, #tpu.memory_space<vmem>>
    %dma_start3A_22 = arith.constant 160 : i32
    %dma_start3A_23 = tpu.memref_slice %arg7[%dma_start3A_22] : memref<1600xi32, #tpu.memory_space<vmem>> -> memref<80xi32, #tpu.memory_space<vmem>>
    %dma_start3A_24 = arith.constant 0 : i32
    %dma_start3A_25 = tpu.memref_slice %arg2[%dma_start3A_24] : memref<51251200xf32, #tpu.memory_space<hbm>> -> memref<51251200xf32, #tpu.memory_space<hbm>>
    tpu.enqueue_indirect_dma source(%dma_start3A_25 : memref<51251200xf32, #tpu.memory_space<hbm>>) target(%dma_start3A_21 : memref<80xf32, #tpu.memory_space<vmem>>) offsets(%dma_start3A_23 : memref<80xi32, #tpu.memory_space<vmem>>) semaphore(%arg11 : memref<!tpu.dma_semaphore, #tpu.memory_space<semaphore_mem>>)
    %dma_start3A_26 = arith.constant 240 : i32
    %dma_start3A_27 = tpu.memref_slice %arg8[%dma_start3A_26] : memref<1600xf32, #tpu.memory_space<vmem>> -> memref<80xf32, #tpu.memory_space<vmem>>
    %dma_start3A_28 = arith.constant 240 : i32
    %dma_start3A_29 = tpu.memref_slice %arg7[%dma_start3A_28] : memref<1600xi32, #tpu.memory_space<vmem>> -> memref<80xi32, #tpu.memory_space<vmem>>
    %dma_start3A_30 = arith.constant 0 : i32
    %dma_start3A_31 = tpu.memref_slice %arg2[%dma_start3A_30] : memref<51251200xf32, #tpu.memory_space<hbm>> -> memref<51251200xf32, #tpu.memory_space<hbm>>
    tpu.enqueue_indirect_dma source(%dma_start3A_31 : memref<51251200xf32, #tpu.memory_space<hbm>>) target(%dma_start3A_27 : memref<80xf32, #tpu.memory_space<vmem>>) offsets(%dma_start3A_29 : memref<80xi32, #tpu.memory_space<vmem>>) semaphore(%arg11 : memref<!tpu.dma_semaphore, #tpu.memory_space<semaphore_mem>>)
    %dma_start3A_32 = arith.constant 320 : i32
    %dma_start3A_33 = tpu.memref_slice %arg8[%dma_start3A_32] : memref<1600xf32, #tpu.memory_space<vmem>> -> memref<80xf32, #tpu.memory_space<vmem>>
    %dma_start3A_34 = arith.constant 320 : i32
    %dma_start3A_35 = tpu.memref_slice %arg7[%dma_start3A_34] : memref<1600xi32, #tpu.memory_space<vmem>> -> memref<80xi32, #tpu.memory_space<vmem>>
    %dma_start3A_36 = arith.constant 0 : i32
    %dma_start3A_37 = tpu.memref_slice %arg2[%dma_start3A_36] : memref<51251200xf32, #tpu.memory_space<hbm>> -> memref<51251200xf32, #tpu.memory_space<hbm>>
    tpu.enqueue_indirect_dma source(%dma_start3A_37 : memref<51251200xf32, #tpu.memory_space<hbm>>) target(%dma_start3A_33 : memref<80xf32, #tpu.memory_space<vmem>>) offsets(%dma_start3A_35 : memref<80xi32, #tpu.memory_space<vmem>>) semaphore(%arg11 : memref<!tpu.dma_semaphore, #tpu.memory_space<semaphore_mem>>)
    %dma_start3A_38 = arith.constant 400 : i32
    %dma_start3A_39 = tpu.memref_slice %arg8[%dma_start3A_38] : memref<1600xf32, #tpu.memory_space<vmem>> -> memref<80xf32, #tpu.memory_space<vmem>>
    %dma_start3A_40 = arith.constant 400 : i32
    %dma_start3A_41 = tpu.memref_slice %arg7[%dma_start3A_40] : memref<1600xi32, #tpu.memory_space<vmem>> -> memref<80xi32, #tpu.memory_space<vmem>>
    %dma_start3A_42 = arith.constant 0 : i32
    %dma_start3A_43 = tpu.memref_slice %arg2[%dma_start3A_42] : memref<51251200xf32, #tpu.memory_space<hbm>> -> memref<51251200xf32, #tpu.memory_space<hbm>>
    tpu.enqueue_indirect_dma source(%dma_start3A_43 : memref<51251200xf32, #tpu.memory_space<hbm>>) target(%dma_start3A_39 : memref<80xf32, #tpu.memory_space<vmem>>) offsets(%dma_start3A_41 : memref<80xi32, #tpu.memory_space<vmem>>) semaphore(%arg11 : memref<!tpu.dma_semaphore, #tpu.memory_space<semaphore_mem>>)
    %dma_start3A_44 = arith.constant 480 : i32
    %dma_start3A_45 = tpu.memref_slice %arg8[%dma_start3A_44] : memref<1600xf32, #tpu.memory_space<vmem>> -> memref<80xf32, #tpu.memory_space<vmem>>
    %dma_start3A_46 = arith.constant 480 : i32
    %dma_start3A_47 = tpu.memref_slice %arg7[%dma_start3A_46] : memref<1600xi32, #tpu.memory_space<vmem>> -> memref<80xi32, #tpu.memory_space<vmem>>
    %dma_start3A_48 = arith.constant 0 : i32
    %dma_start3A_49 = tpu.memref_slice %arg2[%dma_start3A_48] : memref<51251200xf32, #tpu.memory_space<hbm>> -> memref<51251200xf32, #tpu.memory_space<hbm>>
    tpu.enqueue_indirect_dma source(%dma_start3A_49 : memref<51251200xf32, #tpu.memory_space<hbm>>) target(%dma_start3A_45 : memref<80xf32, #tpu.memory_space<vmem>>) offsets(%dma_start3A_47 : memref<80xi32, #tpu.memory_space<vmem>>) semaphore(%arg11 : memref<!tpu.dma_semaphore, #tpu.memory_space<semaphore_mem>>)
    %dma_start3A_50 = arith.constant 560 : i32
    %dma_start3A_51 = tpu.memref_slice %arg8[%dma_start3A_50] : memref<1600xf32, #tpu.memory_space<vmem>> -> memref<80xf32, #tpu.memory_space<vmem>>
    %dma_start3A_52 = arith.constant 560 : i32
    %dma_start3A_53 = tpu.memref_slice %arg7[%dma_start3A_52] : memref<1600xi32, #tpu.memory_space<vmem>> -> memref<80xi32, #tpu.memory_space<vmem>>
    %dma_start3A_54 = arith.constant 0 : i32
    %dma_start3A_55 = tpu.memref_slice %arg2[%dma_start3A_54] : memref<51251200xf32, #tpu.memory_space<hbm>> -> memref<51251200xf32, #tpu.memory_space<hbm>>
    tpu.enqueue_indirect_dma source(%dma_start3A_55 : memref<51251200xf32, #tpu.memory_space<hbm>>) target(%dma_start3A_51 : memref<80xf32, #tpu.memory_space<vmem>>) offsets(%dma_start3A_53 : memref<80xi32, #tpu.memory_space<vmem>>) semaphore(%arg11 : memref<!tpu.dma_semaphore, #tpu.memory_space<semaphore_mem>>)
    %dma_start3A_56 = arith.constant 640 : i32
    %dma_start3A_57 = tpu.memref_slice %arg8[%dma_start3A_56] : memref<1600xf32, #tpu.memory_space<vmem>> -> memref<80xf32, #tpu.memory_space<vmem>>
    %dma_start3A_58 = arith.constant 640 : i32
    %dma_start3A_59 = tpu.memref_slice %arg7[%dma_start3A_58] : memref<1600xi32, #tpu.memory_space<vmem>> -> memref<80xi32, #tpu.memory_space<vmem>>
    %dma_start3A_60 = arith.constant 0 : i32
    %dma_start3A_61 = tpu.memref_slice %arg2[%dma_start3A_60] : memref<51251200xf32, #tpu.memory_space<hbm>> -> memref<51251200xf32, #tpu.memory_space<hbm>>
    tpu.enqueue_indirect_dma source(%dma_start3A_61 : memref<51251200xf32, #tpu.memory_space<hbm>>) target(%dma_start3A_57 : memref<80xf32, #tpu.memory_space<vmem>>) offsets(%dma_start3A_59 : memref<80xi32, #tpu.memory_space<vmem>>) semaphore(%arg11 : memref<!tpu.dma_semaphore, #tpu.memory_space<semaphore_mem>>)
    %dma_start3A_62 = arith.constant 720 : i32
    %dma_start3A_63 = tpu.memref_slice %arg8[%dma_start3A_62] : memref<1600xf32, #tpu.memory_space<vmem>> -> memref<80xf32, #tpu.memory_space<vmem>>
    %dma_start3A_64 = arith.constant 720 : i32
    %dma_start3A_65 = tpu.memref_slice %arg7[%dma_start3A_64] : memref<1600xi32, #tpu.memory_space<vmem>> -> memref<80xi32, #tpu.memory_space<vmem>>
    %dma_start3A_66 = arith.constant 0 : i32
    %dma_start3A_67 = tpu.memref_slice %arg2[%dma_start3A_66] : memref<51251200xf32, #tpu.memory_space<hbm>> -> memref<51251200xf32, #tpu.memory_space<hbm>>
    tpu.enqueue_indirect_dma source(%dma_start3A_67 : memref<51251200xf32, #tpu.memory_space<hbm>>) target(%dma_start3A_63 : memref<80xf32, #tpu.memory_space<vmem>>) offsets(%dma_start3A_65 : memref<80xi32, #tpu.memory_space<vmem>>) semaphore(%arg11 : memref<!tpu.dma_semaphore, #tpu.memory_space<semaphore_mem>>)
    %dma_start3A_68 = arith.constant 800 : i32
    %dma_start3A_69 = tpu.memref_slice %arg8[%dma_start3A_68] : memref<1600xf32, #tpu.memory_space<vmem>> -> memref<80xf32, #tpu.memory_space<vmem>>
    %dma_start3A_70 = arith.constant 800 : i32
    %dma_start3A_71 = tpu.memref_slice %arg7[%dma_start3A_70] : memref<1600xi32, #tpu.memory_space<vmem>> -> memref<80xi32, #tpu.memory_space<vmem>>
    %dma_start3A_72 = arith.constant 0 : i32
    %dma_start3A_73 = tpu.memref_slice %arg2[%dma_start3A_72] : memref<51251200xf32, #tpu.memory_space<hbm>> -> memref<51251200xf32, #tpu.memory_space<hbm>>
    tpu.enqueue_indirect_dma source(%dma_start3A_73 : memref<51251200xf32, #tpu.memory_space<hbm>>) target(%dma_start3A_69 : memref<80xf32, #tpu.memory_space<vmem>>) offsets(%dma_start3A_71 : memref<80xi32, #tpu.memory_space<vmem>>) semaphore(%arg11 : memref<!tpu.dma_semaphore, #tpu.memory_space<semaphore_mem>>)
    %dma_start3A_74 = arith.constant 880 : i32
    %dma_start3A_75 = tpu.memref_slice %arg8[%dma_start3A_74] : memref<1600xf32, #tpu.memory_space<vmem>> -> memref<80xf32, #tpu.memory_space<vmem>>
    %dma_start3A_76 = arith.constant 880 : i32
    %dma_start3A_77 = tpu.memref_slice %arg7[%dma_start3A_76] : memref<1600xi32, #tpu.memory_space<vmem>> -> memref<80xi32, #tpu.memory_space<vmem>>
    %dma_start3A_78 = arith.constant 0 : i32
    %dma_start3A_79 = tpu.memref_slice %arg2[%dma_start3A_78] : memref<51251200xf32, #tpu.memory_space<hbm>> -> memref<51251200xf32, #tpu.memory_space<hbm>>
    tpu.enqueue_indirect_dma source(%dma_start3A_79 : memref<51251200xf32, #tpu.memory_space<hbm>>) target(%dma_start3A_75 : memref<80xf32, #tpu.memory_space<vmem>>) offsets(%dma_start3A_77 : memref<80xi32, #tpu.memory_space<vmem>>) semaphore(%arg11 : memref<!tpu.dma_semaphore, #tpu.memory_space<semaphore_mem>>)
    %dma_start3A_80 = arith.constant 960 : i32
    %dma_start3A_81 = tpu.memref_slice %arg8[%dma_start3A_80] : memref<1600xf32, #tpu.memory_space<vmem>> -> memref<80xf32, #tpu.memory_space<vmem>>
    %dma_start3A_82 = arith.constant 960 : i32
    %dma_start3A_83 = tpu.memref_slice %arg7[%dma_start3A_82] : memref<1600xi32, #tpu.memory_space<vmem>> -> memref<80xi32, #tpu.memory_space<vmem>>
    %dma_start3A_84 = arith.constant 0 : i32
    %dma_start3A_85 = tpu.memref_slice %arg2[%dma_start3A_84] : memref<51251200xf32, #tpu.memory_space<hbm>> -> memref<51251200xf32, #tpu.memory_space<hbm>>
    tpu.enqueue_indirect_dma source(%dma_start3A_85 : memref<51251200xf32, #tpu.memory_space<hbm>>) target(%dma_start3A_81 : memref<80xf32, #tpu.memory_space<vmem>>) offsets(%dma_start3A_83 : memref<80xi32, #tpu.memory_space<vmem>>) semaphore(%arg11 : memref<!tpu.dma_semaphore, #tpu.memory_space<semaphore_mem>>)
    %dma_start3A_86 = arith.constant 1040 : i32
    %dma_start3A_87 = tpu.memref_slice %arg8[%dma_start3A_86] : memref<1600xf32, #tpu.memory_space<vmem>> -> memref<80xf32, #tpu.memory_space<vmem>>
    %dma_start3A_88 = arith.constant 1040 : i32
    %dma_start3A_89 = tpu.memref_slice %arg7[%dma_start3A_88] : memref<1600xi32, #tpu.memory_space<vmem>> -> memref<80xi32, #tpu.memory_space<vmem>>
    %dma_start3A_90 = arith.constant 0 : i32
    %dma_start3A_91 = tpu.memref_slice %arg2[%dma_start3A_90] : memref<51251200xf32, #tpu.memory_space<hbm>> -> memref<51251200xf32, #tpu.memory_space<hbm>>
    tpu.enqueue_indirect_dma source(%dma_start3A_91 : memref<51251200xf32, #tpu.memory_space<hbm>>) target(%dma_start3A_87 : memref<80xf32, #tpu.memory_space<vmem>>) offsets(%dma_start3A_89 : memref<80xi32, #tpu.memory_space<vmem>>) semaphore(%arg11 : memref<!tpu.dma_semaphore, #tpu.memory_space<semaphore_mem>>)
    %dma_start3A_92 = arith.constant 1120 : i32
    %dma_start3A_93 = tpu.memref_slice %arg8[%dma_start3A_92] : memref<1600xf32, #tpu.memory_space<vmem>> -> memref<80xf32, #tpu.memory_space<vmem>>
    %dma_start3A_94 = arith.constant 1120 : i32
    %dma_start3A_95 = tpu.memref_slice %arg7[%dma_start3A_94] : memref<1600xi32, #tpu.memory_space<vmem>> -> memref<80xi32, #tpu.memory_space<vmem>>
    %dma_start3A_96 = arith.constant 0 : i32
    %dma_start3A_97 = tpu.memref_slice %arg2[%dma_start3A_96] : memref<51251200xf32, #tpu.memory_space<hbm>> -> memref<51251200xf32, #tpu.memory_space<hbm>>
    tpu.enqueue_indirect_dma source(%dma_start3A_97 : memref<51251200xf32, #tpu.memory_space<hbm>>) target(%dma_start3A_93 : memref<80xf32, #tpu.memory_space<vmem>>) offsets(%dma_start3A_95 : memref<80xi32, #tpu.memory_space<vmem>>) semaphore(%arg11 : memref<!tpu.dma_semaphore, #tpu.memory_space<semaphore_mem>>)
    %dma_start3A_98 = arith.constant 1200 : i32
    %dma_start3A_99 = tpu.memref_slice %arg8[%dma_start3A_98] : memref<1600xf32, #tpu.memory_space<vmem>> -> memref<80xf32, #tpu.memory_space<vmem>>
    %dma_start3A_100 = arith.constant 1200 : i32
    %dma_start3A_101 = tpu.memref_slice %arg7[%dma_start3A_100] : memref<1600xi32, #tpu.memory_space<vmem>> -> memref<80xi32, #tpu.memory_space<vmem>>
    %dma_start3A_102 = arith.constant 0 : i32
    %dma_start3A_103 = tpu.memref_slice %arg2[%dma_start3A_102] : memref<51251200xf32, #tpu.memory_space<hbm>> -> memref<51251200xf32, #tpu.memory_space<hbm>>
    tpu.enqueue_indirect_dma source(%dma_start3A_103 : memref<51251200xf32, #tpu.memory_space<hbm>>) target(%dma_start3A_99 : memref<80xf32, #tpu.memory_space<vmem>>) offsets(%dma_start3A_101 : memref<80xi32, #tpu.memory_space<vmem>>) semaphore(%arg11 : memref<!tpu.dma_semaphore, #tpu.memory_space<semaphore_mem>>)
    %dma_start3A_104 = arith.constant 1280 : i32
    %dma_start3A_105 = tpu.memref_slice %arg8[%dma_start3A_104] : memref<1600xf32, #tpu.memory_space<vmem>> -> memref<80xf32, #tpu.memory_space<vmem>>
    %dma_start3A_106 = arith.constant 1280 : i32
    %dma_start3A_107 = tpu.memref_slice %arg7[%dma_start3A_106] : memref<1600xi32, #tpu.memory_space<vmem>> -> memref<80xi32, #tpu.memory_space<vmem>>
    %dma_start3A_108 = arith.constant 0 : i32
    %dma_start3A_109 = tpu.memref_slice %arg2[%dma_start3A_108] : memref<51251200xf32, #tpu.memory_space<hbm>> -> memref<51251200xf32, #tpu.memory_space<hbm>>
    tpu.enqueue_indirect_dma source(%dma_start3A_109 : memref<51251200xf32, #tpu.memory_space<hbm>>) target(%dma_start3A_105 : memref<80xf32, #tpu.memory_space<vmem>>) offsets(%dma_start3A_107 : memref<80xi32, #tpu.memory_space<vmem>>) semaphore(%arg11 : memref<!tpu.dma_semaphore, #tpu.memory_space<semaphore_mem>>)
    %dma_start3A_110 = arith.constant 1360 : i32
    %dma_start3A_111 = tpu.memref_slice %arg8[%dma_start3A_110] : memref<1600xf32, #tpu.memory_space<vmem>> -> memref<80xf32, #tpu.memory_space<vmem>>
    %dma_start3A_112 = arith.constant 1360 : i32
    %dma_start3A_113 = tpu.memref_slice %arg7[%dma_start3A_112] : memref<1600xi32, #tpu.memory_space<vmem>> -> memref<80xi32, #tpu.memory_space<vmem>>
    %dma_start3A_114 = arith.constant 0 : i32
    %dma_start3A_115 = tpu.memref_slice %arg2[%dma_start3A_114] : memref<51251200xf32, #tpu.memory_space<hbm>> -> memref<51251200xf32, #tpu.memory_space<hbm>>
    tpu.enqueue_indirect_dma source(%dma_start3A_115 : memref<51251200xf32, #tpu.memory_space<hbm>>) target(%dma_start3A_111 : memref<80xf32, #tpu.memory_space<vmem>>) offsets(%dma_start3A_113 : memref<80xi32, #tpu.memory_space<vmem>>) semaphore(%arg11 : memref<!tpu.dma_semaphore, #tpu.memory_space<semaphore_mem>>)
    %dma_start3A_116 = arith.constant 1440 : i32
    %dma_start3A_117 = tpu.memref_slice %arg8[%dma_start3A_116] : memref<1600xf32, #tpu.memory_space<vmem>> -> memref<80xf32, #tpu.memory_space<vmem>>
    %dma_start3A_118 = arith.constant 1440 : i32
    %dma_start3A_119 = tpu.memref_slice %arg7[%dma_start3A_118] : memref<1600xi32, #tpu.memory_space<vmem>> -> memref<80xi32, #tpu.memory_space<vmem>>
    %dma_start3A_120 = arith.constant 0 : i32
    %dma_start3A_121 = tpu.memref_slice %arg2[%dma_start3A_120] : memref<51251200xf32, #tpu.memory_space<hbm>> -> memref<51251200xf32, #tpu.memory_space<hbm>>
    tpu.enqueue_indirect_dma source(%dma_start3A_121 : memref<51251200xf32, #tpu.memory_space<hbm>>) target(%dma_start3A_117 : memref<80xf32, #tpu.memory_space<vmem>>) offsets(%dma_start3A_119 : memref<80xi32, #tpu.memory_space<vmem>>) semaphore(%arg11 : memref<!tpu.dma_semaphore, #tpu.memory_space<semaphore_mem>>)
    %dma_start3A_122 = arith.constant 1520 : i32
    %dma_start3A_123 = tpu.memref_slice %arg8[%dma_start3A_122] : memref<1600xf32, #tpu.memory_space<vmem>> -> memref<80xf32, #tpu.memory_space<vmem>>
    %dma_start3A_124 = arith.constant 1520 : i32
    %dma_start3A_125 = tpu.memref_slice %arg7[%dma_start3A_124] : memref<1600xi32, #tpu.memory_space<vmem>> -> memref<80xi32, #tpu.memory_space<vmem>>
    %dma_start3A_126 = arith.constant 0 : i32
    %dma_start3A_127 = tpu.memref_slice %arg2[%dma_start3A_126] : memref<51251200xf32, #tpu.memory_space<hbm>> -> memref<51251200xf32, #tpu.memory_space<hbm>>
    tpu.enqueue_indirect_dma source(%dma_start3A_127 : memref<51251200xf32, #tpu.memory_space<hbm>>) target(%dma_start3A_123 : memref<80xf32, #tpu.memory_space<vmem>>) offsets(%dma_start3A_125 : memref<80xi32, #tpu.memory_space<vmem>>) semaphore(%arg11 : memref<!tpu.dma_semaphore, #tpu.memory_space<semaphore_mem>>)
    %dma_wait3A = arith.constant 0 : i32
    %dma_wait3A_128 = tpu.memref_slice %arg8[%dma_wait3A] : memref<1600xf32, #tpu.memory_space<vmem>> -> memref<80xf32, #tpu.memory_space<vmem>>
    %dma_wait3A_129 = arith.constant 0 : i32
    %dma_wait3A_130 = tpu.memref_slice %arg7[%dma_wait3A_129] : memref<1600xi32, #tpu.memory_space<vmem>> -> memref<80xi32, #tpu.memory_space<vmem>>
    %dma_wait3A_131 = arith.constant 0 : i32
    %dma_wait3A_132 = tpu.memref_slice %arg2[%dma_wait3A_131] : memref<51251200xf32, #tpu.memory_space<hbm>> -> memref<51251200xf32, #tpu.memory_space<hbm>>
    tpu.wait_indirect_dma semaphore(%arg11 : memref<!tpu.dma_semaphore, #tpu.memory_space<semaphore_mem>>) src(%dma_wait3A_132 : memref<51251200xf32, #tpu.memory_space<hbm>>) dst(%dma_wait3A_128 : memref<80xf32, #tpu.memory_space<vmem>>)
    %dma_wait3A_133 = arith.constant 80 : i32
    %dma_wait3A_134 = tpu.memref_slice %arg8[%dma_wait3A_133] : memref<1600xf32, #tpu.memory_space<vmem>> -> memref<80xf32, #tpu.memory_space<vmem>>
    %dma_wait3A_135 = arith.constant 80 : i32
    %dma_wait3A_136 = tpu.memref_slice %arg7[%dma_wait3A_135] : memref<1600xi32, #tpu.memory_space<vmem>> -> memref<80xi32, #tpu.memory_space<vmem>>
    %dma_wait3A_137 = arith.constant 0 : i32
    %dma_wait3A_138 = tpu.memref_slice %arg2[%dma_wait3A_137] : memref<51251200xf32, #tpu.memory_space<hbm>> -> memref<51251200xf32, #tpu.memory_space<hbm>>
    tpu.wait_indirect_dma semaphore(%arg11 : memref<!tpu.dma_semaphore, #tpu.memory_space<semaphore_mem>>) src(%dma_wait3A_138 : memref<51251200xf32, #tpu.memory_space<hbm>>) dst(%dma_wait3A_134 : memref<80xf32, #tpu.memory_space<vmem>>)
    %dma_wait3A_139 = arith.constant 160 : i32
    %dma_wait3A_140 = tpu.memref_slice %arg8[%dma_wait3A_139] : memref<1600xf32, #tpu.memory_space<vmem>> -> memref<80xf32, #tpu.memory_space<vmem>>
    %dma_wait3A_141 = arith.constant 160 : i32
    %dma_wait3A_142 = tpu.memref_slice %arg7[%dma_wait3A_141] : memref<1600xi32, #tpu.memory_space<vmem>> -> memref<80xi32, #tpu.memory_space<vmem>>
    %dma_wait3A_143 = arith.constant 0 : i32
    %dma_wait3A_144 = tpu.memref_slice %arg2[%dma_wait3A_143] : memref<51251200xf32, #tpu.memory_space<hbm>> -> memref<51251200xf32, #tpu.memory_space<hbm>>
    tpu.wait_indirect_dma semaphore(%arg11 : memref<!tpu.dma_semaphore, #tpu.memory_space<semaphore_mem>>) src(%dma_wait3A_144 : memref<51251200xf32, #tpu.memory_space<hbm>>) dst(%dma_wait3A_140 : memref<80xf32, #tpu.memory_space<vmem>>)
    %dma_wait3A_145 = arith.constant 240 : i32
    %dma_wait3A_146 = tpu.memref_slice %arg8[%dma_wait3A_145] : memref<1600xf32, #tpu.memory_space<vmem>> -> memref<80xf32, #tpu.memory_space<vmem>>
    %dma_wait3A_147 = arith.constant 240 : i32
    %dma_wait3A_148 = tpu.memref_slice %arg7[%dma_wait3A_147] : memref<1600xi32, #tpu.memory_space<vmem>> -> memref<80xi32, #tpu.memory_space<vmem>>
    %dma_wait3A_149 = arith.constant 0 : i32
    %dma_wait3A_150 = tpu.memref_slice %arg2[%dma_wait3A_149] : memref<51251200xf32, #tpu.memory_space<hbm>> -> memref<51251200xf32, #tpu.memory_space<hbm>>
    tpu.wait_indirect_dma semaphore(%arg11 : memref<!tpu.dma_semaphore, #tpu.memory_space<semaphore_mem>>) src(%dma_wait3A_150 : memref<51251200xf32, #tpu.memory_space<hbm>>) dst(%dma_wait3A_146 : memref<80xf32, #tpu.memory_space<vmem>>)
    %dma_wait3A_151 = arith.constant 320 : i32
    %dma_wait3A_152 = tpu.memref_slice %arg8[%dma_wait3A_151] : memref<1600xf32, #tpu.memory_space<vmem>> -> memref<80xf32, #tpu.memory_space<vmem>>
    %dma_wait3A_153 = arith.constant 320 : i32
    %dma_wait3A_154 = tpu.memref_slice %arg7[%dma_wait3A_153] : memref<1600xi32, #tpu.memory_space<vmem>> -> memref<80xi32, #tpu.memory_space<vmem>>
    %dma_wait3A_155 = arith.constant 0 : i32
    %dma_wait3A_156 = tpu.memref_slice %arg2[%dma_wait3A_155] : memref<51251200xf32, #tpu.memory_space<hbm>> -> memref<51251200xf32, #tpu.memory_space<hbm>>
    tpu.wait_indirect_dma semaphore(%arg11 : memref<!tpu.dma_semaphore, #tpu.memory_space<semaphore_mem>>) src(%dma_wait3A_156 : memref<51251200xf32, #tpu.memory_space<hbm>>) dst(%dma_wait3A_152 : memref<80xf32, #tpu.memory_space<vmem>>)
    %dma_wait3A_157 = arith.constant 400 : i32
    %dma_wait3A_158 = tpu.memref_slice %arg8[%dma_wait3A_157] : memref<1600xf32, #tpu.memory_space<vmem>> -> memref<80xf32, #tpu.memory_space<vmem>>
    %dma_wait3A_159 = arith.constant 400 : i32
    %dma_wait3A_160 = tpu.memref_slice %arg7[%dma_wait3A_159] : memref<1600xi32, #tpu.memory_space<vmem>> -> memref<80xi32, #tpu.memory_space<vmem>>
    %dma_wait3A_161 = arith.constant 0 : i32
    %dma_wait3A_162 = tpu.memref_slice %arg2[%dma_wait3A_161] : memref<51251200xf32, #tpu.memory_space<hbm>> -> memref<51251200xf32, #tpu.memory_space<hbm>>
    tpu.wait_indirect_dma semaphore(%arg11 : memref<!tpu.dma_semaphore, #tpu.memory_space<semaphore_mem>>) src(%dma_wait3A_162 : memref<51251200xf32, #tpu.memory_space<hbm>>) dst(%dma_wait3A_158 : memref<80xf32, #tpu.memory_space<vmem>>)
    %dma_wait3A_163 = arith.constant 480 : i32
    %dma_wait3A_164 = tpu.memref_slice %arg8[%dma_wait3A_163] : memref<1600xf32, #tpu.memory_space<vmem>> -> memref<80xf32, #tpu.memory_space<vmem>>
    %dma_wait3A_165 = arith.constant 480 : i32
    %dma_wait3A_166 = tpu.memref_slice %arg7[%dma_wait3A_165] : memref<1600xi32, #tpu.memory_space<vmem>> -> memref<80xi32, #tpu.memory_space<vmem>>
    %dma_wait3A_167 = arith.constant 0 : i32
    %dma_wait3A_168 = tpu.memref_slice %arg2[%dma_wait3A_167] : memref<51251200xf32, #tpu.memory_space<hbm>> -> memref<51251200xf32, #tpu.memory_space<hbm>>
    tpu.wait_indirect_dma semaphore(%arg11 : memref<!tpu.dma_semaphore, #tpu.memory_space<semaphore_mem>>) src(%dma_wait3A_168 : memref<51251200xf32, #tpu.memory_space<hbm>>) dst(%dma_wait3A_164 : memref<80xf32, #tpu.memory_space<vmem>>)
    %dma_wait3A_169 = arith.constant 560 : i32
    %dma_wait3A_170 = tpu.memref_slice %arg8[%dma_wait3A_169] : memref<1600xf32, #tpu.memory_space<vmem>> -> memref<80xf32, #tpu.memory_space<vmem>>
    %dma_wait3A_171 = arith.constant 560 : i32
    %dma_wait3A_172 = tpu.memref_slice %arg7[%dma_wait3A_171] : memref<1600xi32, #tpu.memory_space<vmem>> -> memref<80xi32, #tpu.memory_space<vmem>>
    %dma_wait3A_173 = arith.constant 0 : i32
    %dma_wait3A_174 = tpu.memref_slice %arg2[%dma_wait3A_173] : memref<51251200xf32, #tpu.memory_space<hbm>> -> memref<51251200xf32, #tpu.memory_space<hbm>>
    tpu.wait_indirect_dma semaphore(%arg11 : memref<!tpu.dma_semaphore, #tpu.memory_space<semaphore_mem>>) src(%dma_wait3A_174 : memref<51251200xf32, #tpu.memory_space<hbm>>) dst(%dma_wait3A_170 : memref<80xf32, #tpu.memory_space<vmem>>)
    %dma_wait3A_175 = arith.constant 640 : i32
    %dma_wait3A_176 = tpu.memref_slice %arg8[%dma_wait3A_175] : memref<1600xf32, #tpu.memory_space<vmem>> -> memref<80xf32, #tpu.memory_space<vmem>>
    %dma_wait3A_177 = arith.constant 640 : i32
    %dma_wait3A_178 = tpu.memref_slice %arg7[%dma_wait3A_177] : memref<1600xi32, #tpu.memory_space<vmem>> -> memref<80xi32, #tpu.memory_space<vmem>>
    %dma_wait3A_179 = arith.constant 0 : i32
    %dma_wait3A_180 = tpu.memref_slice %arg2[%dma_wait3A_179] : memref<51251200xf32, #tpu.memory_space<hbm>> -> memref<51251200xf32, #tpu.memory_space<hbm>>
    tpu.wait_indirect_dma semaphore(%arg11 : memref<!tpu.dma_semaphore, #tpu.memory_space<semaphore_mem>>) src(%dma_wait3A_180 : memref<51251200xf32, #tpu.memory_space<hbm>>) dst(%dma_wait3A_176 : memref<80xf32, #tpu.memory_space<vmem>>)
    %dma_wait3A_181 = arith.constant 720 : i32
    %dma_wait3A_182 = tpu.memref_slice %arg8[%dma_wait3A_181] : memref<1600xf32, #tpu.memory_space<vmem>> -> memref<80xf32, #tpu.memory_space<vmem>>
    %dma_wait3A_183 = arith.constant 720 : i32
    %dma_wait3A_184 = tpu.memref_slice %arg7[%dma_wait3A_183] : memref<1600xi32, #tpu.memory_space<vmem>> -> memref<80xi32, #tpu.memory_space<vmem>>
    %dma_wait3A_185 = arith.constant 0 : i32
    %dma_wait3A_186 = tpu.memref_slice %arg2[%dma_wait3A_185] : memref<51251200xf32, #tpu.memory_space<hbm>> -> memref<51251200xf32, #tpu.memory_space<hbm>>
    tpu.wait_indirect_dma semaphore(%arg11 : memref<!tpu.dma_semaphore, #tpu.memory_space<semaphore_mem>>) src(%dma_wait3A_186 : memref<51251200xf32, #tpu.memory_space<hbm>>) dst(%dma_wait3A_182 : memref<80xf32, #tpu.memory_space<vmem>>)
    %dma_wait3A_187 = arith.constant 800 : i32
    %dma_wait3A_188 = tpu.memref_slice %arg8[%dma_wait3A_187] : memref<1600xf32, #tpu.memory_space<vmem>> -> memref<80xf32, #tpu.memory_space<vmem>>
    %dma_wait3A_189 = arith.constant 800 : i32
    %dma_wait3A_190 = tpu.memref_slice %arg7[%dma_wait3A_189] : memref<1600xi32, #tpu.memory_space<vmem>> -> memref<80xi32, #tpu.memory_space<vmem>>
    %dma_wait3A_191 = arith.constant 0 : i32
    %dma_wait3A_192 = tpu.memref_slice %arg2[%dma_wait3A_191] : memref<51251200xf32, #tpu.memory_space<hbm>> -> memref<51251200xf32, #tpu.memory_space<hbm>>
    tpu.wait_indirect_dma semaphore(%arg11 : memref<!tpu.dma_semaphore, #tpu.memory_space<semaphore_mem>>) src(%dma_wait3A_192 : memref<51251200xf32, #tpu.memory_space<hbm>>) dst(%dma_wait3A_188 : memref<80xf32, #tpu.memory_space<vmem>>)
    %dma_wait3A_193 = arith.constant 880 : i32
    %dma_wait3A_194 = tpu.memref_slice %arg8[%dma_wait3A_193] : memref<1600xf32, #tpu.memory_space<vmem>> -> memref<80xf32, #tpu.memory_space<vmem>>
    %dma_wait3A_195 = arith.constant 880 : i32
    %dma_wait3A_196 = tpu.memref_slice %arg7[%dma_wait3A_195] : memref<1600xi32, #tpu.memory_space<vmem>> -> memref<80xi32, #tpu.memory_space<vmem>>
    %dma_wait3A_197 = arith.constant 0 : i32
    %dma_wait3A_198 = tpu.memref_slice %arg2[%dma_wait3A_197] : memref<51251200xf32, #tpu.memory_space<hbm>> -> memref<51251200xf32, #tpu.memory_space<hbm>>
    tpu.wait_indirect_dma semaphore(%arg11 : memref<!tpu.dma_semaphore, #tpu.memory_space<semaphore_mem>>) src(%dma_wait3A_198 : memref<51251200xf32, #tpu.memory_space<hbm>>) dst(%dma_wait3A_194 : memref<80xf32, #tpu.memory_space<vmem>>)
    %dma_wait3A_199 = arith.constant 960 : i32
    %dma_wait3A_200 = tpu.memref_slice %arg8[%dma_wait3A_199] : memref<1600xf32, #tpu.memory_space<vmem>> -> memref<80xf32, #tpu.memory_space<vmem>>
    %dma_wait3A_201 = arith.constant 960 : i32
    %dma_wait3A_202 = tpu.memref_slice %arg7[%dma_wait3A_201] : memref<1600xi32, #tpu.memory_space<vmem>> -> memref<80xi32, #tpu.memory_space<vmem>>
    %dma_wait3A_203 = arith.constant 0 : i32
    %dma_wait3A_204 = tpu.memref_slice %arg2[%dma_wait3A_203] : memref<51251200xf32, #tpu.memory_space<hbm>> -> memref<51251200xf32, #tpu.memory_space<hbm>>
    tpu.wait_indirect_dma semaphore(%arg11 : memref<!tpu.dma_semaphore, #tpu.memory_space<semaphore_mem>>) src(%dma_wait3A_204 : memref<51251200xf32, #tpu.memory_space<hbm>>) dst(%dma_wait3A_200 : memref<80xf32, #tpu.memory_space<vmem>>)
    %dma_wait3A_205 = arith.constant 1040 : i32
    %dma_wait3A_206 = tpu.memref_slice %arg8[%dma_wait3A_205] : memref<1600xf32, #tpu.memory_space<vmem>> -> memref<80xf32, #tpu.memory_space<vmem>>
    %dma_wait3A_207 = arith.constant 1040 : i32
    %dma_wait3A_208 = tpu.memref_slice %arg7[%dma_wait3A_207] : memref<1600xi32, #tpu.memory_space<vmem>> -> memref<80xi32, #tpu.memory_space<vmem>>
    %dma_wait3A_209 = arith.constant 0 : i32
    %dma_wait3A_210 = tpu.memref_slice %arg2[%dma_wait3A_209] : memref<51251200xf32, #tpu.memory_space<hbm>> -> memref<51251200xf32, #tpu.memory_space<hbm>>
    tpu.wait_indirect_dma semaphore(%arg11 : memref<!tpu.dma_semaphore, #tpu.memory_space<semaphore_mem>>) src(%dma_wait3A_210 : memref<51251200xf32, #tpu.memory_space<hbm>>) dst(%dma_wait3A_206 : memref<80xf32, #tpu.memory_space<vmem>>)
    %dma_wait3A_211 = arith.constant 1120 : i32
    %dma_wait3A_212 = tpu.memref_slice %arg8[%dma_wait3A_211] : memref<1600xf32, #tpu.memory_space<vmem>> -> memref<80xf32, #tpu.memory_space<vmem>>
    %dma_wait3A_213 = arith.constant 1120 : i32
    %dma_wait3A_214 = tpu.memref_slice %arg7[%dma_wait3A_213] : memref<1600xi32, #tpu.memory_space<vmem>> -> memref<80xi32, #tpu.memory_space<vmem>>
    %dma_wait3A_215 = arith.constant 0 : i32
    %dma_wait3A_216 = tpu.memref_slice %arg2[%dma_wait3A_215] : memref<51251200xf32, #tpu.memory_space<hbm>> -> memref<51251200xf32, #tpu.memory_space<hbm>>
    tpu.wait_indirect_dma semaphore(%arg11 : memref<!tpu.dma_semaphore, #tpu.memory_space<semaphore_mem>>) src(%dma_wait3A_216 : memref<51251200xf32, #tpu.memory_space<hbm>>) dst(%dma_wait3A_212 : memref<80xf32, #tpu.memory_space<vmem>>)
    %dma_wait3A_217 = arith.constant 1200 : i32
    %dma_wait3A_218 = tpu.memref_slice %arg8[%dma_wait3A_217] : memref<1600xf32, #tpu.memory_space<vmem>> -> memref<80xf32, #tpu.memory_space<vmem>>
    %dma_wait3A_219 = arith.constant 1200 : i32
    %dma_wait3A_220 = tpu.memref_slice %arg7[%dma_wait3A_219] : memref<1600xi32, #tpu.memory_space<vmem>> -> memref<80xi32, #tpu.memory_space<vmem>>
    %dma_wait3A_221 = arith.constant 0 : i32
    %dma_wait3A_222 = tpu.memref_slice %arg2[%dma_wait3A_221] : memref<51251200xf32, #tpu.memory_space<hbm>> -> memref<51251200xf32, #tpu.memory_space<hbm>>
    tpu.wait_indirect_dma semaphore(%arg11 : memref<!tpu.dma_semaphore, #tpu.memory_space<semaphore_mem>>) src(%dma_wait3A_222 : memref<51251200xf32, #tpu.memory_space<hbm>>) dst(%dma_wait3A_218 : memref<80xf32, #tpu.memory_space<vmem>>)
    %dma_wait3A_223 = arith.constant 1280 : i32
    %dma_wait3A_224 = tpu.memref_slice %arg8[%dma_wait3A_223] : memref<1600xf32, #tpu.memory_space<vmem>> -> memref<80xf32, #tpu.memory_space<vmem>>
    %dma_wait3A_225 = arith.constant 1280 : i32
    %dma_wait3A_226 = tpu.memref_slice %arg7[%dma_wait3A_225] : memref<1600xi32, #tpu.memory_space<vmem>> -> memref<80xi32, #tpu.memory_space<vmem>>
    %dma_wait3A_227 = arith.constant 0 : i32
    %dma_wait3A_228 = tpu.memref_slice %arg2[%dma_wait3A_227] : memref<51251200xf32, #tpu.memory_space<hbm>> -> memref<51251200xf32, #tpu.memory_space<hbm>>
    tpu.wait_indirect_dma semaphore(%arg11 : memref<!tpu.dma_semaphore, #tpu.memory_space<semaphore_mem>>) src(%dma_wait3A_228 : memref<51251200xf32, #tpu.memory_space<hbm>>) dst(%dma_wait3A_224 : memref<80xf32, #tpu.memory_space<vmem>>)
    %dma_wait3A_229 = arith.constant 1360 : i32
    %dma_wait3A_230 = tpu.memref_slice %arg8[%dma_wait3A_229] : memref<1600xf32, #tpu.memory_space<vmem>> -> memref<80xf32, #tpu.memory_space<vmem>>
    %dma_wait3A_231 = arith.constant 1360 : i32
    %dma_wait3A_232 = tpu.memref_slice %arg7[%dma_wait3A_231] : memref<1600xi32, #tpu.memory_space<vmem>> -> memref<80xi32, #tpu.memory_space<vmem>>
    %dma_wait3A_233 = arith.constant 0 : i32
    %dma_wait3A_234 = tpu.memref_slice %arg2[%dma_wait3A_233] : memref<51251200xf32, #tpu.memory_space<hbm>> -> memref<51251200xf32, #tpu.memory_space<hbm>>
    tpu.wait_indirect_dma semaphore(%arg11 : memref<!tpu.dma_semaphore, #tpu.memory_space<semaphore_mem>>) src(%dma_wait3A_234 : memref<51251200xf32, #tpu.memory_space<hbm>>) dst(%dma_wait3A_230 : memref<80xf32, #tpu.memory_space<vmem>>)
    %dma_wait3A_235 = arith.constant 1440 : i32
    %dma_wait3A_236 = tpu.memref_slice %arg8[%dma_wait3A_235] : memref<1600xf32, #tpu.memory_space<vmem>> -> memref<80xf32, #tpu.memory_space<vmem>>
    %dma_wait3A_237 = arith.constant 1440 : i32
    %dma_wait3A_238 = tpu.memref_slice %arg7[%dma_wait3A_237] : memref<1600xi32, #tpu.memory_space<vmem>> -> memref<80xi32, #tpu.memory_space<vmem>>
    %dma_wait3A_239 = arith.constant 0 : i32
    %dma_wait3A_240 = tpu.memref_slice %arg2[%dma_wait3A_239] : memref<51251200xf32, #tpu.memory_space<hbm>> -> memref<51251200xf32, #tpu.memory_space<hbm>>
    tpu.wait_indirect_dma semaphore(%arg11 : memref<!tpu.dma_semaphore, #tpu.memory_space<semaphore_mem>>) src(%dma_wait3A_240 : memref<51251200xf32, #tpu.memory_space<hbm>>) dst(%dma_wait3A_236 : memref<80xf32, #tpu.memory_space<vmem>>)
    %dma_wait3A_241 = arith.constant 1520 : i32
    %dma_wait3A_242 = tpu.memref_slice %arg8[%dma_wait3A_241] : memref<1600xf32, #tpu.memory_space<vmem>> -> memref<80xf32, #tpu.memory_space<vmem>>
    %dma_wait3A_243 = arith.constant 1520 : i32
    %dma_wait3A_244 = tpu.memref_slice %arg7[%dma_wait3A_243] : memref<1600xi32, #tpu.memory_space<vmem>> -> memref<80xi32, #tpu.memory_space<vmem>>
    %dma_wait3A_245 = arith.constant 0 : i32
    %dma_wait3A_246 = tpu.memref_slice %arg2[%dma_wait3A_245] : memref<51251200xf32, #tpu.memory_space<hbm>> -> memref<51251200xf32, #tpu.memory_space<hbm>>
    tpu.wait_indirect_dma semaphore(%arg11 : memref<!tpu.dma_semaphore, #tpu.memory_space<semaphore_mem>>) src(%dma_wait3A_246 : memref<51251200xf32, #tpu.memory_space<hbm>>) dst(%dma_wait3A_242 : memref<80xf32, #tpu.memory_space<vmem>>)
    %dma_wait3A_247 = tpu.memref_slice %arg4[%mul3A_2] : memref<51200xf32, #tpu.memory_space<hbm>> -> memref<1600xf32, #tpu.memory_space<hbm>>
    %dma_wait3A_248 = tpu.memref_slice %arg4[%mul3A_2] : memref<51200xf32, #tpu.memory_space<hbm>> -> memref<1600xf32, #tpu.memory_space<hbm>>
    tpu.wait_dma2 semaphore(%arg12 : memref<!tpu.dma_semaphore, #tpu.memory_space<semaphore_mem>>) src(%dma_wait3A_248 : memref<1600xf32, #tpu.memory_space<hbm>>) dst(%arg9 : memref<1600xf32, #tpu.memory_space<vmem>>)
    %broadcast_in_dim3A = arith.constant 0.000000e+00 : f32
    %broadcast_in_dim3A_249 = vector.broadcast %broadcast_in_dim3A : f32 to vector<16xf32>
    %scan3A_250 = arith.constant 0 : i32
    %scan3A_251 = arith.constant 100 : i32
    %scan3A_252 = arith.addi %scan3A_250, %scan3A_251 : i32
    %scan3A_253 = arith.constant 1 : i32
    %scan3A_254:3 = scf.for %scan3A_271 = %scan3A_250 to %scan3A_252 step %scan3A_253 iter_args(%scan3A_272 = %broadcast_in_dim3A_249, %scan3A_273 = %broadcast_in_dim3A_249, %scan3A_274 = %broadcast_in_dim3A_249) -> (vector<16xf32>, vector<16xf32>, vector<16xf32>)  : i32 {
      %mul3A_275 = arith.constant 16 : i32
      %mul3A_276 = arith.muli %scan3A_271, %mul3A_275 : i32
      %add3A_277 = arith.constant 8 : i32
      %add3A_278 = arith.addi %add3A_277, %mul3A_276 : i32
      %get3A = arith.index_cast %add3A_278 : i32 to index
      %get3A_279 = tpu.vector_load %arg6[%get3A] {strides = array<i32>} : memref<1608xi32, #tpu.memory_space<vmem>>, vector<16xi32>,
      %get3A_280 = vector.shape_cast %get3A_279 : vector<16xi32> to vector<16xi32>
      %mul3A_281 = arith.constant 16 : i32
      %mul3A_282 = arith.muli %scan3A_271, %mul3A_281 : i32
      %add3A_283 = arith.constant 7 : i32
      %add3A_284 = arith.addi %add3A_283, %mul3A_282 : i32
      %get3A_285 = arith.index_cast %add3A_284 : i32 to index
      %get3A_286 = tpu.vector_load %arg6[%get3A_285] {strides = array<i32>} : memref<1608xi32, #tpu.memory_space<vmem>>, vector<16xi32>,
      %get3A_287 = vector.shape_cast %get3A_286 : vector<16xi32> to vector<16xi32>
      %mul3A_288 = arith.constant 16 : i32
      %mul3A_289 = arith.muli %scan3A_271, %mul3A_288 : i32
      %iota3A = tpu.iota {dimensions = array<i32: 0>} : vector<16xi32>
      %add3A_290 = vector.broadcast %mul3A_289 : i32 to vector<16xi32>
      %add3A_291 = arith.addi %add3A_290, %iota3A : vector<16xi32>
      %gt3A = arith.constant 1000 : i32
      %gt3A_292 = vector.broadcast %gt3A : i32 to vector<16xi32>
      %gt3A_293 = arith.cmpi sgt, %get3A_280, %gt3A_292 : vector<16xi32>
      %jit3A = arith.constant 1.000000e+00 : f32
      %jit3A_294 = arith.constant 0.000000e+00 : f32
      %broadcast_in_dim3A_295 = vector.broadcast %jit3A : f32 to vector<16xf32>
      %broadcast_in_dim3A_296 = vector.broadcast %jit3A_294 : f32 to vector<16xf32>
      %select_n3A = arith.select %gt3A_293, %broadcast_in_dim3A_295, %broadcast_in_dim3A_296 : vector<16xi1>, vector<16xf32>
      %jit3A_297 = arith.constant 50 : i32
      %eq3A = arith.constant 0 : i32
      %eq3A_298 = arith.cmpi eq, %jit3A_297, %eq3A : i32
      %jit3A_299 = arith.constant 1 : i32
      %select_n3A_300 = arith.select %eq3A_298, %jit3A_299, %jit3A_297 : i32
      %rem3A = vector.broadcast %select_n3A_300 : i32 to vector<16xi32>
      %rem3A_301 = arith.remsi %add3A_291, %rem3A : vector<16xi32>
      %ne3A = arith.constant 0 : i32
      %ne3A_302 = vector.broadcast %ne3A : i32 to vector<16xi32>
      %ne3A_303 = arith.cmpi ne, %rem3A_301, %ne3A_302 : vector<16xi32>
      %lt3A = arith.constant 0 : i32
      %lt3A_304 = vector.broadcast %lt3A : i32 to vector<16xi32>
      %lt3A_305 = arith.cmpi slt, %rem3A_301, %lt3A_304 : vector<16xi32>
      %lt3A_306 = arith.constant 0 : i32
      %lt3A_307 = arith.cmpi slt, %select_n3A_300, %lt3A_306 : i32
      %ne3A_308 = vector.broadcast %lt3A_307 : i1 to vector<16xi1>
      %ne3A_309 = vector.broadcast %ne3A_308 : vector<16xi1> to vector<16xi1>
      %ne3A_310 = arith.xori %lt3A_305, %ne3A_309 : vector<16xi1>
      %and3A = arith.andi %ne3A_310, %ne3A_303 : vector<16xi1>
      %add3A_311 = vector.broadcast %select_n3A_300 : i32 to vector<16xi32>
      %add3A_312 = arith.addi %rem3A_301, %add3A_311 : vector<16xi32>
      %select_n3A_313 = arith.select %and3A, %add3A_312, %rem3A_301 : vector<16xi1>, vector<16xi32>
      %eq3A_314 = arith.constant 0 : i32
      %eq3A_315 = vector.broadcast %eq3A_314 : i32 to vector<16xi32>
      %eq3A_316 = arith.cmpi eq, %select_n3A_313, %eq3A_315 : vector<16xi32>
      %jit3A_317 = arith.constant 1.000000e+00 : f32
      %jit3A_318 = arith.constant 0.000000e+00 : f32
      %broadcast_in_dim3A_319 = vector.broadcast %jit3A_317 : f32 to vector<16xf32>
      %broadcast_in_dim3A_320 = vector.broadcast %jit3A_318 : f32 to vector<16xf32>
      %select_n3A_321 = arith.select %eq3A_316, %broadcast_in_dim3A_319, %broadcast_in_dim3A_320 : vector<16xi1>, vector<16xf32>
      %gt3A_322 = arith.constant 0 : i32
      %gt3A_323 = vector.broadcast %gt3A_322 : i32 to vector<16xi32>
      %gt3A_324 = arith.cmpi sgt, %get3A_287, %gt3A_323 : vector<16xi32>
      %jit3A_325 = arith.constant 1.000000e+00 : f32
      %jit3A_326 = arith.constant 0.000000e+00 : f32
      %broadcast_in_dim3A_327 = vector.broadcast %jit3A_325 : f32 to vector<16xf32>
      %broadcast_in_dim3A_328 = vector.broadcast %jit3A_326 : f32 to vector<16xf32>
      %select_n3A_329 = arith.select %gt3A_324, %broadcast_in_dim3A_327, %broadcast_in_dim3A_328 : vector<16xi1>, vector<16xf32>
      %sub3A = arith.constant 1.000000e+00 : f32
      %sub3A_330 = vector.broadcast %sub3A : f32 to vector<16xf32>
      %sub3A_331 = arith.subf %sub3A_330, %select_n3A : vector<16xf32>
      %add3A_332 = arith.addf %select_n3A_321, %select_n3A_329 : vector<16xf32>
      %min3A = arith.constant 1.000000e+00 : f32
      %min3A_333 = vector.broadcast %min3A : f32 to vector<16xf32>
      %min3A_334 = arith.minimumf %add3A_332, %min3A_333 : vector<16xf32>
      %mul3A_335 = arith.mulf %sub3A_331, %min3A_334 : vector<16xf32>
      %mul3A_336 = arith.constant 16 : i32
      %mul3A_337 = arith.muli %scan3A_271, %mul3A_336 : i32
      %get3A_338 = arith.index_cast %mul3A_337 : i32 to index
      %get3A_339 = tpu.vector_load %arg8[%get3A_338] {strides = array<i32>} : memref<1600xf32, #tpu.memory_space<vmem>>, vector<16xf32>,
      %get3A_340 = vector.shape_cast %get3A_339 : vector<16xf32> to vector<16xf32>
      %mul3A_341 = arith.constant 16 : i32
      %mul3A_342 = arith.muli %scan3A_271, %mul3A_341 : i32
      %get3A_343 = arith.index_cast %mul3A_342 : i32 to index
      %get3A_344 = tpu.vector_load %arg9[%get3A_343] {strides = array<i32>} : memref<1600xf32, #tpu.memory_space<vmem>>, vector<16xf32>,
      %get3A_345 = vector.shape_cast %get3A_344 : vector<16xf32> to vector<16xf32>
      %mul3A_346 = arith.mulf %get3A_340, %mul3A_335 : vector<16xf32>
      %add3A_347 = arith.addf %scan3A_272, %mul3A_346 : vector<16xf32>
      %mul3A_348 = arith.mulf %get3A_345, %select_n3A : vector<16xf32>
      %add3A_349 = arith.addf %scan3A_273, %mul3A_348 : vector<16xf32>
      %add3A_350 = arith.addf %scan3A_274, %mul3A_335 : vector<16xf32>
      %add3A_351 = arith.addf %add3A_350, %select_n3A : vector<16xf32>
      scf.yield %add3A_347, %add3A_349, %add3A_351 : vector<16xf32>, vector<16xf32>, vector<16xf32>
    }
    %scan3A_255 = arith.constant 100 : i32
    %swap3A = arith.constant 0 : index
    %swap3A_256 = tpu.vector_load %arg10[%swap3A] {strides = array<i32>} : memref<48xf32, #tpu.memory_space<vmem>>, vector<16xf32>,
    %swap3A_257 = vector.shape_cast %swap3A_256 : vector<16xf32> to vector<16xf32>
    %swap3A_258 = vector.shape_cast %scan3A_254#0 : vector<16xf32> to vector<16xf32>
    tpu.vector_store %arg10[%swap3A], %swap3A_258 {strides = array<i32>} : memref<48xf32, #tpu.memory_space<vmem>>, vector<16xf32>,
    %swap3A_259 = arith.constant 16 : index
    %swap3A_260 = tpu.vector_load %arg10[%swap3A_259] {strides = array<i32>} : memref<48xf32, #tpu.memory_space<vmem>>, vector<16xf32>,
    %swap3A_261 = vector.shape_cast %swap3A_260 : vector<16xf32> to vector<16xf32>
    %swap3A_262 = vector.shape_cast %scan3A_254#1 : vector<16xf32> to vector<16xf32>
    tpu.vector_store %arg10[%swap3A_259], %swap3A_262 {strides = array<i32>} : memref<48xf32, #tpu.memory_space<vmem>>, vector<16xf32>,
    %swap3A_263 = arith.constant 32 : index
    %swap3A_264 = tpu.vector_load %arg10[%swap3A_263] {strides = array<i32>} : memref<48xf32, #tpu.memory_space<vmem>>, vector<16xf32>,
    %swap3A_265 = vector.shape_cast %swap3A_264 : vector<16xf32> to vector<16xf32>
    %swap3A_266 = vector.shape_cast %scan3A_254#2 : vector<16xf32> to vector<16xf32>
    tpu.vector_store %arg10[%swap3A_263], %swap3A_266 {strides = array<i32>} : memref<48xf32, #tpu.memory_space<vmem>>, vector<16xf32>,
    %mul3A_267 = arith.constant 3 : i32
    %mul3A_268 = arith.muli %add3A, %mul3A_267 : i32
    %mul3A_269 = arith.constant 16 : i32
    %mul3A_270 = arith.muli %mul3A_268, %mul3A_269 : i32
    "tpu.region"() ({
      %run_scoped3A = tpu.sem_alloc : memref<!tpu.dma_semaphore, #tpu.memory_space<semaphore_mem>>
      %dma_start3A_271 = tpu.memref_slice %arg5[%mul3A_270] : memref<1536xf32, #tpu.memory_space<hbm>> -> memref<48xf32, #tpu.memory_space<hbm>>
      %dma_start3A_272 = tpu.memref_slice %arg5[%mul3A_270] : memref<1536xf32, #tpu.memory_space<hbm>> -> memref<48xf32, #tpu.memory_space<hbm>>
      tpu.enqueue_dma source(%arg10 : memref<48xf32, #tpu.memory_space<vmem>>) target(%dma_start3A_272 : memref<48xf32, #tpu.memory_space<hbm>>) target_semaphore(%run_scoped3A : memref<!tpu.dma_semaphore, #tpu.memory_space<semaphore_mem>>)
      %dma_wait3A_273 = tpu.memref_slice %arg5[%mul3A_270] : memref<1536xf32, #tpu.memory_space<hbm>> -> memref<48xf32, #tpu.memory_space<hbm>>
      %dma_wait3A_274 = tpu.memref_slice %arg5[%mul3A_270] : memref<1536xf32, #tpu.memory_space<hbm>> -> memref<48xf32, #tpu.memory_space<hbm>>
      tpu.wait_dma2 semaphore(%run_scoped3A : memref<!tpu.dma_semaphore, #tpu.memory_space<semaphore_mem>>) src(%arg10 : memref<48xf32, #tpu.memory_space<vmem>>) dst(%dma_wait3A_274 : memref<48xf32, #tpu.memory_space<hbm>>)
      tpu.yield
    }) : () -> ()
    return
  }
}

</mosaic_0001>

<sc_bundles>
// kernel: kernel.3.cloned.1.call-start
scs
__scs_entry_jumppad:
0x0: {  	(pc) =	sbr.rel $0x88, $3  }
0x1: {  	(tag) =	ssettag $0x0;
	lr =	simm.s32 $0x1  }
0x2: {  	[smem:$0x3F9E] =	sst lr;
	_ =	strace $0xD0000000  }
0x3: {  	_ = 	snop  }
0x4: {  	_ = 	snop  }
0x5: {  	_ = 	snop  }
0x6: {  	_ = 	snop  }
0x7: {  	_ = 	snop  }
__scs_overlays_trampoline_lowered:
0x8: {  	[smem:$0x3FAD] =	sst s0  }
0x9: {  	[smem:$0x3FAE] =	sst s1  }
0xa: {  	[smem:$0x3FAF] =	sst s2  }
0xb: {  	[smem:$0x3FB0] =	sst s3  }
0xc: {  	[smem:$0x3FB1] =	sst s4  }
0xd: {  	[smem:$0x3FB2] =	sst s5  }
0xe: {  	[smem:$0x3FB3] =	sst s6  }
0xf: {  	[smem:$0x3FB4] =	sst s7  }
0x10: {  	[smem:$0x3FB5] =	sst s8  }
0x11: {  	[smem:$0x3FB6] =	sst s9;
	s0 =	simm.s32 @!p0 $0x0  }
0x12: {  	s1 =	sld [smem:$0x3F9C];
	s0 =	simm.s32 @p0 $0x1  }
0x13: {  	[smem:$0x3FB7] =	sst s0;
	s0 =	simm.s32 @!p1 $0x0  }
0x14: {  	s2 =	sld [smem:$0x3F9B];
	s0 =	simm.s32 @p1 $0x1  }
0x15: {  	[smem:$0x3FB8] =	sst s0;
	s0 =	simm.s32 @!p2 $0x0  }
0x16: {  	s3 =	sld [smem:$0x3FDB];
	s0 =	simm.s32 @p2 $0x1  }
0x17: {  	s4 =	simm.s32 $0x1BF5;
	[smem:$0x3FBA] =	sst s0  }
0x18: {  	s0 =	sld [smem:$0x3F9D];
	_ =	swait.ge [sflag:s4], $0x0  }
0x19: {  	s7 =	sld [smem:$0x3F9E]  }
0x1a: {  	s8 =	sadd.s32 $0xFFFFE003, lr  }
0x1b: {  	s9 =	sadd.s32 $0xFFFFFEF7, lr;
	s5 =	simm.s32 $0xFFFFFFFF;
	p2 =	slt.u32 s8, $0xFFFFF086  }
0x1c: {  	p1 =	slt.u32 s9, $0xF7A;
	s5 =	simm.s32 @!p2 $0x0  }
0x1d: {  	s5 =	simm.s32 @p1 $0x1;
	p0 =	seq.s32 s7, s2  }
0x1e: {  	s7 =	smul.u32 @!p0 $0xF7A, s2;
	p2 =	seq.s32 @!p0 s5, $0x0  }
0x1f: {  	s9 =	smul.u32 $0xF7A, s1;
	s8 =	simm.s32 @!p0 $0x1BF5;
	p2 =	por !p2, p0  }
0x20: {  	[sflag:s8] =	ssyncset.s32 @!p0 $0xFFFFF086;
	s6 =	sadd.s32 @!p0 s3, s7;
	s7 =	simm.s32 @!p0 $0x108  }
0x21: {  	s3 =	sadd.s32 s3, s9;
	s6 =	sadd.s32 @!p0 $0x88, s6;
	s7 =	simm.s32 @p2 $0x1082  }
0x22: {  	[simem:s7], [sflag:s8] =	dma.local @!p0 [hbm:s6], $0xF7A  }
0x23: {  	s9 =	sor.u32 $0xD0000000, s2;
	s6 =	simm.s32 $0x108;
	_ =	swait.ge @!p0 [sflag:s8], $0x0  }
0x24: {  	s3 =	sadd.s32 $0x88, s3;
	s6 =	simm.s32 @!p1 $0x1082;
	[sflag:s4] =	ssyncset.s32 $0xFFFFF086  }
0x25: {  	[simem:s6], [sflag:s4] =	dma.local [hbm:s3], $0xF7A  }
0x26: {  	[smem:$0x3F9E] =	sst s1;
	(tag) =	ssettag s2;
	_ =	strace s9  }
0x27: {  	s1 =	sld [smem:$0x3FAE]  }
0x28: {  	s2 =	sld [smem:$0x3FAF]  }
0x29: {  	s4 =	sld [smem:$0x3FB1]  }
0x2a: {  	p0 =	seq.s32 s5, $0x0;
	s5 =	sld [smem:$0x3FB2]  }
0x2b: {  	s6 =	sld [smem:$0x3FB3]  }
0x2c: {  	s7 =	sld [smem:$0x3FB4]  }
0x2d: {  	s3 =	simm.s32 $0x108;
	s8 =	sld [smem:$0x3FB5]  }
0x2e: {  	s3 =	simm.s32 @!p0 $0x1082;
	s9 =	sld [smem:$0x3FB6]  }
0x2f: {  	lr =	sadd.s32 s0, s3;
	s0 =	sld [smem:$0x3FAD]  }
0x30: {  	s3 =	sld [smem:$0x3FB0]  }
0x31: {  	[smem:$0x3FB9] =	sst s10  }
0x32: {  	s10 =	sld [smem:$0x3FB7];
	_ =	sdelay $0x3  }
0x33: {  	p0 =	seq.s32 s10, $0x1;
	s10 =	sld [smem:$0x3FB9];
	_ =	sdelay $0x3  }
0x34: {  	[smem:$0x3FB9] =	sst s10  }
0x35: {  	s10 =	sld [smem:$0x3FB8];
	_ =	sdelay $0x3  }
0x36: {  	p1 =	seq.s32 s10, $0x1;
	s10 =	sld [smem:$0x3FB9];
	_ =	sdelay $0x3  }
0x37: {  	[smem:$0x3FB9] =	sst s10  }
0x38: {  	s10 =	sld [smem:$0x3FBA]  }
0x39: {  	_ = 	snop;
	(pc) =	sbr.ind lr, $3  }
0x3a: {  	_ = 	snop  }
0x3b: {  	_ = 	snop  }
0x3c: {  	p2 =	seq.s32 s10, $0x1;
	s10 =	sld [smem:$0x3FB9]  }
0x3d: {  	_ =	shalt  }
0x3e: {  	_ =	shalt  }
0x3f: {  	_ =	shalt  }
0x40: {  	_ =	shalt  }
0x41: {  	_ =	shalt  }
0x42: {  	_ =	shalt  }
0x43: {  	_ =	shalt  }
0x44: {  	_ =	shalt  }
0x45: {  	_ =	shalt  }
0x46: {  	_ =	shalt  }
0x47: {  	_ =	shalt  }
0x48: {  	_ =	shalt  }
0x49: {  	_ =	shalt  }
0x4a: {  	_ =	shalt  }
0x4b: {  	_ =	shalt  }
0x4c: {  	_ =	shalt  }
0x4d: {  	_ =	shalt  }
0x4e: {  	_ =	shalt  }
0x4f: {  	_ =	shalt  }
0x50: {  	_ =	shalt  }
0x51: {  	_ =	shalt  }
0x52: {  	_ =	shalt  }
0x53: {  	_ =	shalt  }
0x54: {  	_ =	shalt  }
0x55: {  	_ =	shalt  }
0x56: {  	_ =	shalt  }
0x57: {  	_ =	shalt  }
0x58: {  	_ =	shalt  }
0x59: {  	_ =	shalt  }
0x5a: {  	_ =	shalt  }
0x5b: {  	_ =	shalt  }
0x5c: {  	_ =	shalt  }
0x5d: {  	_ =	shalt  }
0x5e: {  	_ =	shalt  }
0x5f: {  	_ =	shalt  }
0x60: {  	_ =	shalt  }
0x61: {  	_ =	shalt  }
0x62: {  	_ =	shalt  }
0x63: {  	_ =	shalt  }
0x64: {  	_ =	shalt  }
0x65: {  	_ =	shalt  }
0x66: {  	_ =	shalt  }
0x67: {  	_ =	shalt  }
0x68: {  	_ =	shalt  }
0x69: {  	_ =	shalt  }
0x6a: {  	_ =	shalt  }
0x6b: {  	_ =	shalt  }
0x6c: {  	_ =	shalt  }
0x6d: {  	_ =	shalt  }
0x6e: {  	_ =	shalt  }
0x6f: {  	_ =	shalt  }
0x70: {  	_ =	shalt  }
0x71: {  	_ =	shalt  }
0x72: {  	_ =	shalt  }
0x73: {  	_ =	shalt  }
0x74: {  	_ =	shalt  }
0x75: {  	_ =	shalt  }
0x76: {  	_ =	shalt  }
0x77: {  	_ =	shalt  }
0x78: {  	_ =	shalt  }
0x79: {  	_ =	shalt  }
0x7a: {  	_ =	shalt  }
0x7b: {  	_ =	shalt  }
0x7c: {  	_ =	shalt  }
0x7d: {  	_ =	shalt  }
0x7e: {  	_ =	shalt  }
0x7f: {  	_ =	shalt  }
0x80: {  	_ =	shalt  }
0x81: {  	_ =	shalt  }
0x82: {  	_ =	shalt  }
0x83: {  	_ =	shalt  }
0x84: {  	_ =	shalt  }
0x85: {  	_ =	shalt  }
0x86: {  	_ =	shalt  }
0x87: {  	_ =	shalt  }
.Lfunc_end0:
.L_simem_size_0:
called_computation_lowered:
.L_overlay_start_0:
0x88: {  	s2 =	sld [smem:$0x3FD9]  }
0x89: {  	s3 =	sld [smem:$0x3FFE];
	_ =	sdelay $0x1  }
0x8a: {  	s1 =	srdreg.scid  }
0x8b: {  	s0 =	sand.u32 $0x1, s1  }
0x8c: {  	s17 =	sshll.u32 s0, $0xA;
	s2 =	sadd.s32 s3, s2  }
0x8d: {  	s2 =	sadd.s32 s2, s17  }
0x8e: {  	[smem:$0x3FC5] =	sst s2  }
0x8f: {  	_ = 	snop  }
0x90: {  	s2 =	sld [smem:$0x3FC8];
	(tm) =	ssettm $0x1  }
0x91: {  	s18 =	sld [smem:$0x3FFB];
	_ =	sdelay $0x3  }
0x92: {  	_ =	strace s18  }
0x93: {  	s3 =	sld [smem:$0x3FFC];
	_ =	sdelay $0x3  }
0x94: {  	_ =	strace s3  }
0x95: {  	s3 =	sld [smem:$0x3FFD];
	_ =	sdelay $0x3  }
0x96: {  	_ =	strace s3  }
0x97: {  	_ =	strace $0x8FFFFFFF  }
0x98: {  	s19 =	sld [smem:$0x3FDB];
	_ =	sdelay $0x1  }
0x99: {  	s4 =	simm.s32 $_scs_section_size  }
0x9a: {  	s5 =	simm.s32 $_size__tile_overlayer_lowered;
	s6 =	simm.s32 $_tile_overlayer_lowered  }
0x9b: {  	s22 =	simm.s32 $0x1BFF;
	s21 =	sshll.u32 s6, $0x1;
	s3 =	sadd.s32 s4, s19  }
0x9c: {  	s7 =	simm.s32 $0x0;
	s20 =	sshll.u32 s5, $0x1;
	s5 =	sadd.s32 s21, s3  }
0x9d: {  	[timem:s7], [sflag:s22] =	dma.local [hbm:s5], s20  }
0x9e: {  	_ =	swait.ge [sflag:s22], s20  }
0x9f: {  	s4 =	ssub.s32 $0x0, s20;
	[sflag:s22] =	ssyncset.done $0x0  }
0xa0: {  	[sflag:s22] =	ssyncadd.s32 s4;
	_ =	sdelay $0x1  }
0xa1: {  	s23 =	simm.s32 $0x1B8B  }
0xa2: {  	_ =	swait.ge [sflag:s23], $0x1  }
0xa3: {  	[sflag:s23] =	ssyncset.done $0x0  }
0xa4: {  	s25 =	simm.s32 $0x1B8E;
	s24 =	sld [smem:$0x3FFE];
	[sflag:s23] =	ssyncadd.s32 $0xFFFFFFFF  }
0xa5: {  	s26 =	simm.s32 $execute0_lowered;
	[smem:$0x3FD2] =	sst s25  }
0xa6: {  	s5 =	sshll.u32 s26, $0x1;
	_ =	strace $0x80000046;
	[dreg:$0x1] =	wrdreg $0xFFFFFFFF  }
0xa7: {  	s28 =	simm.s32 $_size_execute0_lowered;
	s3 =	sadd.s32 s3, s5;
	[dreg:$0x0] =	wrdreg $0x0  }
0xa8: {  	s5 =	sshll.u32 s28, $0x1;
	[dreg:$0x2] =	wrdreg s3  }
0xa9: {  	[dreg:$0x3] =	wrdreg s5  }
0xaa: {  	[dreg:$0x4] =	wrdreg $0xC0  }
0xab: {  	_ =	task [dreg:s7], $0x5FFFF  }
0xac: {  	[dreg:$0x1] =	wrdreg $0xFFFFFFFF  }
0xad: {  	[dreg:$0x0] =	wrdreg $0x60  }
0xae: {  	[dreg:$0x2] =	wrdreg s24  }
0xaf: {  	[dreg:$0x3] =	wrdreg s2  }
0xb0: {  	[dreg:$0x4] =	wrdreg $0x9  }
0xb1: {  	_ =	task.clear_ibuf [dreg:s7], $0x5FFFF;
	_ =	strace $0x90000046  }
0xb2: {  	s29 =	simm.s32 $0x9;
	_ =	strace $0x80000048  }
0xb3: {  	_ =	swait.ge [sflag:s29], $0x1  }
0xb4: {  	[sflag:s29] =	ssyncadd.s32 $0xFFFFFFFF  }
0xb5: {  	_ =	strace $0x90000048  }
0xb6: {  	_ =	sfence  }
0xb7: {  	s30 =	sld [smem:$0x0];
	_ =	sdelay $0x2  }
0xb8: {  	s31 =	sshll.u32 s1, $0xD;
	s1 =	sshrl.u32 s1, $0x2  }
0xb9: {  	s3 =	sand.u32 $0x4000, s31;
	s1 =	sadd.s32 s1, s30  }
0xba: {  	s0 =	sor.u32 s3, s0;
	s1 =	sshll.u32 s1, $0x11  }
0xbb: {  	s0 =	sor.u32 s1, s0  }
0xbc: {  	s0 =	sadd.s32 $0x8F2B, s0  }
0xbd: {  	[sflag:s0] =	ssyncadd.remote.s32 $0x1  }
0xbe: {  	_ =	sfence.sel $0xFFFF  }
0xbf: {  	[dreg:$0x0] =	wrdreg $0xFFFFFFFF;
	(pc) =	sbr.abs _section_cstart, $3  }
0xc0: {  	[dreg:$0x1] =	wrdreg $0xFFFFFFFF  }
0xc1: {  	_ =	task.clear_ibuf [dreg:s7], $0x2FFFF;
	_ =	strace $0x9FFFFFFF  }
0xc2: {  	(tm) =	ssettm $0x7FFFFFFF  }
0xc3: {  	_ =	shalt  }
tec
execute0_lowered:
.L_overlay_start_1:
0x0: {  	(tag) =	ssettag $0x1  }
0x1: {  	s0 =	srdreg.scid;
	s1 =	rddreg [dreg:$0x0]  }
0x2: {  	s9 =	stileid.u32;
	s4 =	rddreg [dreg:$0x1]  }
0x3: {  	s11 =	simm.s32 $0x3;
	s12 =	simm.s32 $0x50;
	s16 =	simm.s32 $0xA90  }
0x4: {  	s17 =	simm.s32 $0x1110;
	s18 =	simm.s32 $0xAE0;
	s19 =	simm.s32 $0x1160  }
0x5: {  	s20 =	simm.s32 $0xB30;
	s21 =	simm.s32 $0x11B0;
	s22 =	simm.s32 $0xB80  }
0x6: {  	s23 =	simm.s32 $0x1200;
	s24 =	simm.s32 $0xBD0;
	s25 =	simm.s32 $0x1250  }
0x7: {  	s28 =	simm.s32 $0x12A0;
	s29 =	simm.s32 $0xC70;
	s30 =	simm.s32 $0x12F0  }
0x8: {  	s0 =	sand.u32 $0x1, s0;
	s2 =	sshll.u32 s9, $0x1;
	s9 =	smul.u32 $0xC80, s9  }
0x9: {  	s3 =	sor.u32 s0, s2;
	s8 =	ssub.s32 $0x2, s0;
	s0 =	smul.u32 $0x640, s0  }
0xa: {  	s31 =	simm.s32 $0x1;
	s2 =	simm.s32 $0x0;
	s5 =	smul.u32 $0x640, s3  }
0xb: {  	[smem:$0x7FF] =	sst s2;
	s6 =	smul.u32 $0x6, s3;
	s3 =	sadd.s32 $0x640400, s1  }
0xc: {  	s26 =	sshrl.u32 s8, $0x1;
	_ =	strace $0x80000047;
	s5 =	sshrl.u32 s5, $0x3  }
0xd: {  	s8 =	ssub.s32 s8, s26;
	s26 =	simm.s32 $0xC20;
	s7 =	sadd.s32 s5, s1  }
0xe: {  	s1 =	sadd.s32 s6, s1;
	s4 =	sadd.s32 s4, s5;
	s5 =	sadd.s32 $0x400, s7  }
0xf: {  	v0 =	vlaneseq.u32;
	s6 =	sadd.s32 $0x1E00, s1;
	s7 =	smax.u32 s8, $0x1;
	s8 =	sadd.s32 s0, s9  }
0x10: {  	v2 =	vimm.f32 $0.0e+00;
	v1 =	vmul.u32 $0x3E9, v0;
	s1 =	simm.s32 $0x2;
	s0 =	simm.s32 $0x1A00;
	s9 =	simm.s32 $0x0  }
.LBB2_1:
0x11: {  	s10 =	simm.s32 $0x1380  }
0x12: {  	[tilespmem:s10], [sflag:$0x2] =	stream.linear.gather [hbm4b:s4+s2], $0x640, $0x38;
	[tilespmem:$0x1A80] =	vst v63  }
0x13: {  	s15 =	simm.s32 $0x8  }
0x14: {  	[tilespmem:s15], [sflag:$0x3] =	stream.linear.gather [hbm4b:s5+s2], $0x640, $0x38;
	[tilespmem:$0x1A80] =	vst v63  }
0x15: {  	_ =	swait.ge [sflag:s11], $0x640  }
0x16: {  	[sflag:s11] =	ssyncset.done $0x0  }
0x17: {  	s10 =	simm.s32 $0x0;
	[sflag:s11] =	ssyncadd.s32 $0xFFFFF9C0  }
0x18: {  	v3 =	vld [tilespmem:s10+$0x8];
	_ =	sdelay $0x1  }
0x19: {  	v4 =	vmov s8  }
0x1a: {  	s13 =	simm.s32 $0x40;
	s14 =	smov.u32 s8;
	v4 =	vmul.u32 $0x3E9, v4  }
.LBB2_2:
0x1b: {  	p0 =	sne.s32 s13, $0x18C0  }
.Ltmp0:
0x1c: {  	s15 =	sshra.s32 s13, $0x2;
	s13 =	sadd.s32 $0x40, s13;
	vm0 =	vgt.s32 v3, $0x3E8;
	v4 =	vbroadcast v4, $0x0;
	(pc) =	sbr.rel @p0 .LBB2_2-.Ltmp0, $4  }
0x1d: {  	v5 =	vsel vm0, $0x0, v3;
	v3 =	vld [tilespmem:s15+$0x8]  }
0x1e: {  	s14 =	sadd.s32 $0x10, s14;
	v4 =	vadd.s32 v5, v4  }
0x1f: {  	v5 =	vmov s14;
	v6 =	vadd.s32 v1, v4  }
0x20: {  	v4 =	vmul.u32 $0x3E9, v5;
	[tilespmem:s10+$0x680] =	vst v6;
	s10 =	smov.u32 s15  }
0x21: {  	_ = 	snop  }
0x22: {  	vm0 =	vgt.s32 v3, $0x3E8;
	v4 =	vbroadcast v4, $0x0  }
0x23: {  	v3 =	vsel vm0, $0x0, v3  }
0x24: {  	v3 =	vadd.s32 v3, v4  }
0x25: {  	v3 =	vadd.s32 v1, v3  }
0x26: {  	s13 =	simm.s32 $0x680;
	[tilespmem:s10+$0x680] =	vst v3;
	s10 =	simm.s32 $0xD00  }
0x27: {  	[tilespmem:s10], [sflag:$0x1] =	stream.indirect.gather [hbm4b:s3+s12], $0x1, s13, s12, $0xb8;
	[tilespmem:$0x1A80] =	vst v63  }
0x28: {  	s15 =	simm.s32 $0x6D0;
	s14 =	simm.s32 $0xD50  }
0x29: {  	[tilespmem:s14], [sflag:$0x1] =	stream.indirect.gather [hbm4b:s3+s12], $0x1, s15, s12, $0xb8;
	[tilespmem:$0x1A80] =	vst v63  }
0x2a: {  	s14 =	simm.s32 $0x720;
	s15 =	simm.s32 $0xDA0  }
0x2b: {  	[tilespmem:s15], [sflag:$0x1] =	stream.indirect.gather [hbm4b:s3+s12], $0x1, s14, s12, $0xb8;
	[tilespmem:$0x1A80] =	vst v63  }
0x2c: {  	s14 =	simm.s32 $0x770;
	s15 =	simm.s32 $0xDF0  }
0x2d: {  	[tilespmem:s15], [sflag:$0x1] =	stream.indirect.gather [hbm4b:s3+s12], $0x1, s14, s12, $0xb8;
	[tilespmem:$0x1A80] =	vst v63  }
0x2e: {  	s14 =	simm.s32 $0x7C0;
	s15 =	simm.s32 $0xE40  }
0x2f: {  	[tilespmem:s15], [sflag:$0x1] =	stream.indirect.gather [hbm4b:s3+s12], $0x1, s14, s12, $0xb8;
	[tilespmem:$0x1A80] =	vst v63  }
0x30: {  	s14 =	simm.s32 $0x810;
	s15 =	simm.s32 $0xE90  }
0x31: {  	[tilespmem:s15], [sflag:$0x1] =	stream.indirect.gather [hbm4b:s3+s12], $0x1, s14, s12, $0xb8;
	[tilespmem:$0x1A80] =	vst v63  }
0x32: {  	s14 =	simm.s32 $0x860;
	s15 =	simm.s32 $0xEE0  }
0x33: {  	[tilespmem:s15], [sflag:$0x1] =	stream.indirect.gather [hbm4b:s3+s12], $0x1, s14, s12, $0xb8;
	[tilespmem:$0x1A80] =	vst v63  }
0x34: {  	s14 =	simm.s32 $0x8B0;
	s15 =	simm.s32 $0xF30  }
0x35: {  	[tilespmem:s15], [sflag:$0x1] =	stream.indirect.gather [hbm4b:s3+s12], $0x1, s14, s12, $0xb8;
	[tilespmem:$0x1A80] =	vst v63  }
0x36: {  	s14 =	simm.s32 $0x900;
	s15 =	simm.s32 $0xF80  }
0x37: {  	[tilespmem:s15], [sflag:$0x1] =	stream.indirect.gather [hbm4b:s3+s12], $0x1, s14, s12, $0xb8;
	[tilespmem:$0x1A80] =	vst v63  }
0x38: {  	s14 =	simm.s32 $0x950;
	s15 =	simm.s32 $0xFD0  }
0x39: {  	[tilespmem:s15], [sflag:$0x1] =	stream.indirect.gather [hbm4b:s3+s12], $0x1, s14, s12, $0xb8;
	[tilespmem:$0x1A80] =	vst v63  }
0x3a: {  	s14 =	simm.s32 $0x9A0;
	s15 =	simm.s32 $0x1020  }
0x3b: {  	[tilespmem:s15], [sflag:$0x1] =	stream.indirect.gather [hbm4b:s3+s12], $0x1, s14, s12, $0xb8;
	[tilespmem:$0x1A80] =	vst v63  }
0x3c: {  	s14 =	simm.s32 $0x9F0;
	s15 =	simm.s32 $0x1070  }
0x3d: {  	[tilespmem:s15], [sflag:$0x1] =	stream.indirect.gather [hbm4b:s3+s12], $0x1, s14, s12, $0xb8;
	[tilespmem:$0x1A80] =	vst v63  }
0x3e: {  	s14 =	simm.s32 $0xA40;
	s15 =	simm.s32 $0x10C0  }
0x3f: {  	[tilespmem:s15], [sflag:$0x1] =	stream.indirect.gather [hbm4b:s3+s12], $0x1, s14, s12, $0xb8;
	[tilespmem:$0x1A80] =	vst v63  }
0x40: {  	_ = 	snop  }
0x41: {  	[tilespmem:s17], [sflag:$0x1] =	stream.indirect.gather [hbm4b:s3+s12], $0x1, s16, s12, $0xb8;
	[tilespmem:$0x1A80] =	vst v63  }
0x42: {  	_ = 	snop  }
0x43: {  	[tilespmem:s19], [sflag:$0x1] =	stream.indirect.gather [hbm4b:s3+s12], $0x1, s18, s12, $0xb8;
	[tilespmem:$0x1A80] =	vst v63  }
0x44: {  	_ = 	snop  }
0x45: {  	[tilespmem:s21], [sflag:$0x1] =	stream.indirect.gather [hbm4b:s3+s12], $0x1, s20, s12, $0xb8;
	[tilespmem:$0x1A80] =	vst v63  }
0x46: {  	_ = 	snop  }
0x47: {  	[tilespmem:s23], [sflag:$0x1] =	stream.indirect.gather [hbm4b:s3+s12], $0x1, s22, s12, $0xb8;
	[tilespmem:$0x1A80] =	vst v63  }
0x48: {  	_ = 	snop  }
0x49: {  	[tilespmem:s25], [sflag:$0x1] =	stream.indirect.gather [hbm4b:s3+s12], $0x1, s24, s12, $0xb8;
	[tilespmem:$0x1A80] =	vst v63  }
0x4a: {  	_ = 	snop  }
0x4b: {  	[tilespmem:s28], [sflag:$0x1] =	stream.indirect.gather [hbm4b:s3+s12], $0x1, s26, s12, $0xb8;
	[tilespmem:$0x1A80] =	vst v63  }
0x4c: {  	_ = 	snop  }
0x4d: {  	[tilespmem:s30], [sflag:$0x1] =	stream.indirect.gather [hbm4b:s3+s12], $0x1, s29, s12, $0xb8;
	[tilespmem:$0x1A80] =	vst v63  }
0x4e: {  	_ =	swait.ge [sflag:s31], $0x50  }
0x4f: {  	[sflag:s31] =	ssyncset.done $0x0  }
0x50: {  	[sflag:s31] =	ssyncadd.s32 $0xFFFFFFB0  }
0x51: {  	_ =	swait.ge [sflag:s31], $0x50  }
0x52: {  	[sflag:s31] =	ssyncset.done $0x0  }
0x53: {  	[sflag:s31] =	ssyncadd.s32 $0xFFFFFFB0  }
0x54: {  	_ =	swait.ge [sflag:s31], $0x50  }
0x55: {  	[sflag:s31] =	ssyncset.done $0x0  }
0x56: {  	[sflag:s31] =	ssyncadd.s32 $0xFFFFFFB0  }
0x57: {  	_ =	swait.ge [sflag:s31], $0x50  }
0x58: {  	[sflag:s31] =	ssyncset.done $0x0  }
0x59: {  	[sflag:s31] =	ssyncadd.s32 $0xFFFFFFB0  }
0x5a: {  	_ =	swait.ge [sflag:s31], $0x50  }
0x5b: {  	[sflag:s31] =	ssyncset.done $0x0  }
0x5c: {  	[sflag:s31] =	ssyncadd.s32 $0xFFFFFFB0  }
0x5d: {  	_ =	swait.ge [sflag:s31], $0x50  }
0x5e: {  	[sflag:s31] =	ssyncset.done $0x0  }
0x5f: {  	[sflag:s31] =	ssyncadd.s32 $0xFFFFFFB0  }
0x60: {  	_ =	swait.ge [sflag:s31], $0x50  }
0x61: {  	[sflag:s31] =	ssyncset.done $0x0  }
0x62: {  	[sflag:s31] =	ssyncadd.s32 $0xFFFFFFB0  }
0x63: {  	_ =	swait.ge [sflag:s31], $0x50  }
0x64: {  	[sflag:s31] =	ssyncset.done $0x0  }
0x65: {  	[sflag:s31] =	ssyncadd.s32 $0xFFFFFFB0  }
0x66: {  	_ =	swait.ge [sflag:s31], $0x50  }
0x67: {  	[sflag:s31] =	ssyncset.done $0x0  }
0x68: {  	[sflag:s31] =	ssyncadd.s32 $0xFFFFFFB0  }
0x69: {  	_ =	swait.ge [sflag:s31], $0x50  }
0x6a: {  	[sflag:s31] =	ssyncset.done $0x0  }
0x6b: {  	[sflag:s31] =	ssyncadd.s32 $0xFFFFFFB0  }
0x6c: {  	_ =	swait.ge [sflag:s31], $0x50  }
0x6d: {  	[sflag:s31] =	ssyncset.done $0x0  }
0x6e: {  	[sflag:s31] =	ssyncadd.s32 $0xFFFFFFB0  }
0x6f: {  	_ =	swait.ge [sflag:s31], $0x50  }
0x70: {  	[sflag:s31] =	ssyncset.done $0x0  }
0x71: {  	[sflag:s31] =	ssyncadd.s32 $0xFFFFFFB0  }
0x72: {  	_ =	swait.ge [sflag:s31], $0x50  }
0x73: {  	[sflag:s31] =	ssyncset.done $0x0  }
0x74: {  	[sflag:s31] =	ssyncadd.s32 $0xFFFFFFB0  }
0x75: {  	_ =	swait.ge [sflag:s31], $0x50  }
0x76: {  	[sflag:s31] =	ssyncset.done $0x0  }
0x77: {  	[sflag:s31] =	ssyncadd.s32 $0xFFFFFFB0  }
0x78: {  	_ =	swait.ge [sflag:s31], $0x50  }
0x79: {  	[sflag:s31] =	ssyncset.done $0x0  }
0x7a: {  	[sflag:s31] =	ssyncadd.s32 $0xFFFFFFB0  }
0x7b: {  	_ =	swait.ge [sflag:s31], $0x50  }
0x7c: {  	[sflag:s31] =	ssyncset.done $0x0  }
0x7d: {  	[sflag:s31] =	ssyncadd.s32 $0xFFFFFFB0  }
0x7e: {  	_ =	swait.ge [sflag:s31], $0x50  }
0x7f: {  	[sflag:s31] =	ssyncset.done $0x0  }
0x80: {  	[sflag:s31] =	ssyncadd.s32 $0xFFFFFFB0  }
0x81: {  	_ =	swait.ge [sflag:s31], $0x50  }
0x82: {  	[sflag:s31] =	ssyncset.done $0x0  }
0x83: {  	[sflag:s31] =	ssyncadd.s32 $0xFFFFFFB0  }
0x84: {  	_ =	swait.ge [sflag:s31], $0x50  }
0x85: {  	[sflag:s31] =	ssyncset.done $0x0  }
0x86: {  	[sflag:s31] =	ssyncadd.s32 $0xFFFFFFB0  }
0x87: {  	_ =	swait.ge [sflag:s31], $0x50  }
0x88: {  	[sflag:s31] =	ssyncset.done $0x0  }
0x89: {  	[sflag:s31] =	ssyncadd.s32 $0xFFFFFFB0  }
0x8a: {  	_ =	swait.ge [sflag:s1], $0x640  }
0x8b: {  	s14 =	simm.s32 $0x0;
	[sflag:s1] =	ssyncset.done $0x0  }
0x8c: {  	s15 =	simm.s32 $0x8;
	v3 =	vor.u32 s14, v0;
	[sflag:s1] =	ssyncadd.s32 $0xFFFFF9C0  }
0x8d: {  	v3 =	vmul.u32 $0xC28F5C29, v3;
	v4 =	vld [tilespmem:s15+$0xFFFFFFFF]  }
0x8e: {  	v5 =	vld [tilespmem:s15+$0x0]  }
0x8f: {  	v6 =	vshll.u32 v3, $0x1F;
	v3 =	vshrl.u32 v3, $0x1  }
0x90: {  	v3 =	vor.u32 v6, v3  }
0x91: {  	s13 =	simm.s32 $0x1380;
	vm12 =	vle.u32 v3, $0x51EB851  }
0x92: {  	s14 =	simm.s32 $0x18;
	v3 =	vsel vm12, $0x3F800000, v2;
	s15 =	simm.s32 $0x10;
	v7 =	vld [tilespmem:s13+$0x0];
	vm1 =	vgt.s32 v4, $0x0  }
0x93: {  	v11 =	vld [tilespmem:s14+$0x0];
	v6 =	vor.u32 s15, v0;
	vm2 =	vgt.s32 v5, $0x3E8;
	v4 =	vsel vm1, $0x3F800000, v2  }
0x94: {  	v5 =	vld [tilespmem:s14+$0xFFFFFFFF];
	v9 =	vsel vm2, $0x3F800000, v2;
	v3 =	vadd.f32 v4, v3;
	v4 =	vmul.u32 $0xC28F5C29, v6  }
0x95: {  	v6 =	vsub.f32 $1.000000000e+00, v9  }
0x96: {  	s15 =	simm.s32 $0x20;
	v8 =	vmin.f32 v3, $1.000000000e+00;
	v10 =	vshll.u32 v4, $0x1F;
	v4 =	vshrl.u32 v4, $0x1  }
0x97: {  	s13 =	simm.s32 $0x1390;
	v12 =	vor.u32 s15, v0;
	v8 =	vmul.f32 v8, v6;
	v6 =	vor.u32 v10, v4;
	v10 =	vld [tilespmem:s10+$0x0]  }
0x98: {  	vm15 =	vgt.s32 v11, $0x3E8;
	v3 =	vimm.f32 $0.0e+00;
	vm13 =	vle.u32 v6, $0x51EB851;
	v6 =	vld [tilespmem:s13+$0x0]  }
0x99: {  	v4 =	vmul.f32 v7, v9;
	vm14 =	vgt.s32 v5, $0x0;
	v7 =	vadd.f32 v8, v3  }
0x9a: {  	s14 =	simm.s32 $0x28;
	v5 =	vsel vm15, $0x3F800000, v2;
	v14 =	vsel vm14, $0x3F800000, v2;
	v13 =	vsel vm13, $0x3F800000, v2  }
0x9b: {  	s15 =	simm.s32 $0x30;
	v11 =	vld [tilespmem:s14+$0xFFFFFFFF];
	v13 =	vadd.f32 v14, v13;
	v9 =	vadd.f32 v7, v9;
	v7 =	vimm.f32 $0.0e+00  }
.LBB2_4:
0x9c: {  	p0 =	sne.s32 s15, $0x630;
	v14 =	vld [tilespmem:s14+$0x0];
	v12 =	vmul.u32 $0xC28F5C29, v12;
	v15 =	vsub.f32 $1.000000000e+00, v5;
	v16 =	vmul.f32 v8, v10  }
0x9d: {  	v3 =	vadd.f32 v4, v3;
	s10 =	sadd.s32 $0x10, s10;
	v8 =	vmin.f32 v13, $1.000000000e+00;
	v4 =	vmul.f32 v6, v5  }
.Ltmp1:
0x9e: {  	s13 =	sadd.s32 $0x10, s13;
	v6 =	vshll.u32 v12, $0x1F;
	v13 =	vshrl.u32 v12, $0x1;
	v8 =	vmul.f32 v8, v15;
	v10 =	vld [tilespmem:s10+$0x0];
	(pc) =	sbr.rel @p0 .LBB2_4-.Ltmp1, $4  }
0x9f: {  	v12 =	vor.u32 s15, v0;
	v7 =	vadd.f32 v16, v7;
	v13 =	vor.u32 v6, v13;
	v6 =	vld [tilespmem:s13+$0x0]  }
0xa0: {  	vm0 =	vle.u32 v13, $0x51EB851;
	vm1 =	vgt.s32 v11, $0x0;
	v9 =	vadd.f32 v8, v9  }
0xa1: {  	s14 =	sadd.s32 $0x10, s14;
	vm2 =	vgt.s32 v14, $0x3E8;
	v13 =	vsel vm0, $0x3F800000, v2;
	v14 =	vsel vm1, $0x3F800000, v2  }
0xa2: {  	s15 =	sadd.s32 $0x10, s15;
	v11 =	vld [tilespmem:s14+$0xFFFFFFFF];
	v13 =	vadd.f32 v14, v13;
	v9 =	vadd.f32 v9, v5;
	v5 =	vsel vm2, $0x3F800000, v2  }
0xa3: {  	v14 =	vld [tilespmem:s14+$0x0];
	v12 =	vmul.u32 $0xC28F5C29, v12;
	_ =	sdelay $0x1  }
0xa4: {  	v15 =	vshll.u32 v12, $0x1F;
	v12 =	vshrl.u32 v12, $0x1  }
0xa5: {  	v16 =	vsub.f32 $1.000000000e+00, v5;
	s10 =	sadd.s32 $0x10, s10;
	v12 =	vor.u32 v15, v12  }
0xa6: {  	s13 =	sadd.s32 $0x10, s13;
	v53 =	vld [tilespmem:s10+$0x0];
	v13 =	vmin.f32 v13, $1.000000000e+00;
	vm0 =	vle.u32 v12, $0x51EB851;
	vm1 =	vgt.s32 v11, $0x0  }
0xa7: {  	s10 =	sadd.s32 $0x10, s10;
	v57 =	vld [tilespmem:s13+$0x0];
	vm2 =	vgt.s32 v14, $0x3E8;
	v54 =	vsel vm0, $0x3F800000, v2;
	v55 =	vsel vm1, $0x3F800000, v2  }
0xa8: {  	v56 =	vld [tilespmem:s10+$0x0];
	v13 =	vmul.f32 v13, v16;
	v14 =	vsel vm2, $0x3F800000, v2;
	v11 =	vadd.f32 v55, v54  }
0xa9: {  	v8 =	vmul.f32 v8, v10;
	v3 =	vadd.f32 v4, v3;
	v58 =	vsub.f32 $1.000000000e+00, v14  }
0xaa: {  	v6 =	vmul.f32 v6, v5;
	v9 =	vadd.f32 v13, v9;
	v59 =	vmin.f32 v11, $1.000000000e+00  }
0xab: {  	v7 =	vadd.f32 v8, v7;
	v10 =	vmul.f32 v13, v53;
	v8 =	vmul.f32 v59, v58  }
0xac: {  	v3 =	vadd.f32 v6, v3;
	v60 =	vadd.f32 v9, v5;
	v63 =	vmul.f32 v57, v14  }
0xad: {  	v61 =	vadd.f32 v10, v7;
	v62 =	vmul.f32 v8, v56  }
0xae: {  	v3 =	vadd.f32 v63, v3;
	v4 =	vadd.f32 v8, v60  }
0xaf: {  	v5 =	vadd.f32 v62, v61  }
0xb0: {  	s9 =	sadd.s32 $0x1, s9;
	[tilespmem:$0x1A10] =	vst v3;
	v4 =	vadd.f32 v4, v14  }
0xb1: {  	p0 =	sne.s32 s9, s7;
	[tilespmem:$0x1A00] =	vst v5  }
.Ltmp2:
0xb2: {  	[tilespmem:$0x1A20] =	vst v4;
	(pc) =	sbr.rel @p0 .LBB2_1-.Ltmp2, $4  }
0xb3: {  	[hbm4b:s6+s2] =	stream.linear.scatter [tilespmem:s0], [sflag:$0x3], $0x30, $0x38;
	[tilespmem:$0x1A80] =	vst v63  }
0xb4: {  	_ =	swait.ge [sflag:s11], $0x30  }
0xb5: {  	[sflag:s11] =	ssyncset.done $0x0  }
0xb6: {  	[sflag:s11] =	ssyncadd.s32 $0xFFFFFFD0  }
0xb7: {  	_ =	sfence.sel $0x180000  }
0xb8: {  	[bflag:$0x0] =	sbarrier.arrive $0xFFFF  }
0xb9: {  	_ =	strace $0x90000047  }
0xba: {  	s0 =	stileid.u32;
	[bflag:$0x2] =	sbarrier.arrive $0xFFFF  }
0xbb: {  	p0 =	sne.s32 s0, $0x0;
	s0 =	rddreg [dreg:$0x2]  }
0xbc: {  	s0 =	sadd.s32 @!p0 $0x100000, s0  }
0xbd: {  	[sflag:s0] =	ssyncadd.tile.s32 @!p0 $0x1;
	_ =	shalt  }
.Lfunc_end2:
_tile_overlayer_lowered:
.L_overlay_start_2:
0xbe: {  	(tag) =	ssettag $0x2  }
0xbf: {  	s0 =	rddreg [dreg:$0x0];
	s2 =	stileid.u32  }
0xc0: {  	s1 =	rddreg [dreg:$0x1];
	p0 =	sne.s32 s2, $0x0  }
0xc1: {  	s3 =	rddreg [dreg:$0x2];
	[bflag:$0x3] =	sbarrier.arrive $0xFFFF;
	s2 =	simm.s32 @!p0 $0x1C03  }
0xc2: {  	[timem:s3], [sflag:s2] =	dma.local @!p0 [hbm:s0], s1  }
0xc3: {  	s0 =	simm.s32 @!p0 $0x3  }
0xc4: {  	_ =	swait.ge @!p0 [sflag:s0], s1  }
0xc5: {  	s1 =	ssub.s32 @!p0 $0x0, s1;
	[sflag:s0] =	ssyncset.done @!p0 $0x0  }
0xc6: {  	[sflag:s0] =	ssyncadd.s32 @!p0 s1  }
0xc7: {  	[bflag:$0x3] =	sbarrier.arrive $0xFFFF  }
0xc8: {  	_ =	shalt  }

</sc_bundles>
